<compile_context>
chip_gen: v7x
topology: tpu7x:2x2x1
jax: 0.10.2.dev20260603
libtpu: 0.0.44.dev20260713+nightly
codegen_flags: <defaults>
</compile_context>

<pallas_src>
import functools
import math

import numpy as np
import jax
import jax.numpy as jnp
from jax import lax
from jax.experimental import pallas as pl
from jax.experimental.pallas import tpu as pltpu
from jax.experimental.pallas import tpu_sc as plsc

_B = 2
_X, _Y, _Z = 200, 200, 16
_N = _X * _Y * _Z
_C = 18
_FREE = 17
_EPS = 1e-06
_NUM_RAYS = 2000
_MAX_DIST = 60.0
_VOXEL = 0.4
_PC_MIN = np.array([-40.0, -40.0, -1.0], dtype=np.float32)
_ORIGIN = np.array([0.9858, 0.0, 1.8402], dtype=np.float32)
_GRID = np.array([_X, _Y, _Z], dtype=np.int32)

_NC = 2
_NS = 16
_NW = _NC * _NS
_LANES = 16
_GPW = 8
_RPW = _GPW * _LANES
_DUMMY = _B * _N


def _ray_constants():
    pitch_angles = []
    for k in range(10):
        pitch_angles.append(-(math.pi / 2 - math.atan(k + 1)))
    while pitch_angles[-1] < 0.21:
        delta = pitch_angles[-1] - pitch_angles[-2]
        pitch_angles.append(pitch_angles[-1] + delta)
    rays = []
    for pitch in pitch_angles:
        for az_deg in range(360):
            az = math.radians(az_deg)
            rays.append((math.cos(pitch) * math.cos(az),
                         math.cos(pitch) * math.sin(az),
                         math.sin(pitch)))
    rays = np.array(rays, dtype=np.float32)
    dt = (_VOXEL / (np.abs(rays).max(axis=1) + 1e-08)).astype(np.float32)
    s_max = int(min(np.ceil(_MAX_DIST / dt.min()), 512))
    sel = np.linspace(0, rays.shape[0] - 1, _NUM_RAYS).astype(np.int64)
    dirs = rays[sel]
    dts = dt[sel]
    t = (np.arange(s_max, dtype=np.float32)[None, :] + 0.5) * dts[:, None]
    pts = _ORIGIN[None, None, :] + dirs[:, None, :] * t[:, :, None]
    vox = np.floor((pts - _PC_MIN[None, None, :]) / _VOXEL).astype(np.int32)
    in_range = (np.all((vox >= 0) & (vox < _GRID[None, None, :]), axis=-1)
                & (t <= _MAX_DIST))
    voxc = np.clip(vox, 0, _GRID[None, None, :] - 1)
    flat = (voxc[..., 0] * (_Y * _Z) + voxc[..., 1] * _Z + voxc[..., 2])
    return flat.astype(np.int64), in_range, s_max


def _build_tables():
    flat, in_range, s_max = _ray_constants()
    e = in_range.sum(axis=1).astype(np.int32)
    assert np.array_equal(in_range, np.arange(s_max)[None, :] < e[:, None])
    s_uni = int(-(-int(e.max()) // 8) * 8)
    rtot = _NW * _RPW
    idx_full = np.zeros((rtot, s_uni), dtype=np.int64)
    base = flat[:, :s_uni]
    for b in range(_B):
        idx_full[b * _NUM_RAYS:(b + 1) * _NUM_RAYS] = b * _N + base
    npad = rtot - _B * _NUM_RAYS
    idx_full[_B * _NUM_RAYS:] = idx_full[:npad]
    e_full = np.zeros((rtot,), dtype=np.int32)
    e_full[:_NUM_RAYS] = e
    e_full[_NUM_RAYS:2 * _NUM_RAYS] = e
    idx_v = idx_full.reshape(_NW, _GPW, _LANES, s_uni).transpose(0, 1, 3, 2)
    n_chunk = _GPW * s_uni * _LANES // 128
    idx_chunks = np.ascontiguousarray(idx_v).reshape(_NW, n_chunk * 128)
    e_tbl = e_full.reshape(_NW, _RPW)
    return idx_chunks.astype(np.int32), e_tbl, s_uni, n_chunk


_IDX_NP, _E_NP, _SUNI, _NCHUNK = _build_tables()
_GSTRIDE = _SUNI * _LANES

_VSUP = 64
_SROW = _VSUP * _C
_NSB = 160
_NBLK = _B * _N // (_NSB * _VSUP)


def _table_kernel(l_ref, gt_ref, mk_ref, out_ref):
    lf = l_ref[0]
    gt = gt_ref[0]
    mk = mk_ref[0]
    jj = lax.broadcasted_iota(jnp.int32, (_SROW, _VSUP), 0)
    vv = lax.broadcasted_iota(jnp.int32, (_SROW, _VSUP), 1)
    own = (jj // _C) == vv
    st = jnp.where(own, 1.0, 0.0)
    stf = jnp.where(own & (jj % _C == _FREE), 1.0, 0.0)
    dn = (((1,), (0,)), ((), ()))
    ex = jnp.exp(lf)
    se = lax.dot_general(ex, st, dn)
    lfree = lax.dot_general(lf, stf, dn)
    gtf = gt.astype(jnp.float32)
    ee = lax.dot_general(gtf, st, (((1,), (1,)), ((), ())))
    cio = lax.broadcasted_iota(jnp.int32, (_NSB, _SROW), 1) % _C
    lsel = jnp.where(cio.astype(jnp.float32) == ee, lf, 0.0)
    lgt = lax.dot_general(lsel, st, dn)
    lse = jnp.log(se)
    p = jnp.clip(1.0 - jnp.exp(lfree - lse), _EPS, 1.0 - _EPS)
    pre = -jnp.log(1.0 - p)
    hit = -jnp.log(p) + (lse - lgt)
    occf = (gt != _FREE) & (mk > 0)
    w = jnp.where(occf, jnp.maximum(hit, 1e-30), -jnp.maximum(pre, 1e-30))
    out_ref[0] = w


def _table_call(l3, gt3, mk3):
    return pl.pallas_call(
        _table_kernel,
        grid=(_NBLK,),
        in_specs=[
            pl.BlockSpec((1, _NSB, _SROW), lambda i: (i, 0, 0)),
            pl.BlockSpec((1, _NSB, _VSUP), lambda i: (i, 0, 0)),
            pl.BlockSpec((1, _NSB, _VSUP), lambda i: (i, 0, 0)),
        ],
        out_specs=pl.BlockSpec((1, _NSB, _VSUP), lambda i: (i, 0, 0)),
        out_shape=jax.ShapeDtypeStruct((_NBLK, _NSB, _VSUP), jnp.float32),
    )(l3, gt3, mk3)


@functools.cache
def _get_scan_call():
    mesh = plsc.VectorSubcoreMesh(core_axis_name="c", subcore_axis_name="s",
                                  num_cores=_NC, num_subcores=_NS)
    return functools.partial(
        pl.kernel,
        out_type=jax.ShapeDtypeStruct((_NW, 4, _LANES), jnp.float32),
        mesh=mesh,
        scratch_types=[
            pltpu.VMEM((_NCHUNK * 128,), jnp.int32),
            pltpu.VMEM((_NCHUNK * 128,), jnp.float32),
            pltpu.VMEM((_RPW,), jnp.int32),
            pltpu.VMEM((4, _LANES), jnp.float32),
            pltpu.SemaphoreType.DMA,
        ],
    )(_scan_body)


def _scan_body(w_hbm, idx_hbm, e_hbm, out_hbm, idx_v, vals_v, e_v, acc_v,
               sem):
    wid = lax.axis_index("s") * _NC + lax.axis_index("c")
    pltpu.sync_copy(idx_hbm.at[wid], idx_v)
    pltpu.sync_copy(e_hbm.at[wid], e_v)
    pltpu.async_copy(w_hbm.at[idx_v], vals_v, sem).wait()

    zeros = jnp.zeros((_LANES,), jnp.float32)
    a_pre, a_prec, a_hit, a_hitc = zeros, zeros, zeros, zeros
    for g in range(_GPW):
        e_g = e_v[pl.ds(g * _LANES, _LANES)]

        def body(s, c, g=g, e_g=e_g):
            hitv, pv, pc, ap, apc, ah, ahc = c
            wv = vals_v[pl.ds(g * _GSTRIDE + s * _LANES, _LANES)]
            occ = jnp.where(wv > 0.0, 1.0, 0.0)
            inr = jnp.where(s < e_g, 1.0, 0.0)
            alive = (1.0 - hitv) * inr
            take = occ * alive
            ap = ap + take * pv
            apc = apc + take * pc
            ah = ah + take * wv
            ahc = ahc + take
            hitv = hitv + take
            upd = alive * (1.0 - occ)
            pv = pv - upd * wv
            pc = pc + upd
            return (hitv, pv, pc, ap, apc, ah, ahc)

        init = (zeros, zeros, zeros, a_pre, a_prec, a_hit, a_hitc)
        res = lax.fori_loop(0, _SUNI, body, init, unroll=False)
        a_pre, a_prec, a_hit, a_hitc = res[3], res[4], res[5], res[6]

    acc_v[0] = a_pre
    acc_v[1] = a_prec
    acc_v[2] = a_hit
    acc_v[3] = a_hitc
    pltpu.sync_copy(acc_v, out_hbm.at[wid])


def kernel(occ_logits, voxel_semantics, mask_camera):
    l3 = occ_logits.reshape(_NBLK, _NSB, _SROW)
    gt3 = voxel_semantics.reshape(_NBLK, _NSB, _VSUP)
    mk3 = mask_camera.reshape(_NBLK, _NSB, _VSUP)
    w_full = _table_call(l3, gt3, mk3).reshape(_B * _N)
    parts = _get_scan_call()(w_full, _IDX_NP, _E_NP)
    sums = jnp.sum(parts, axis=(0, 2))
    loss = (sums[0] / jnp.maximum(sums[1], 1.0)
            + sums[2] / jnp.maximum(sums[3], 1.0))
    return loss

# --- scband reference (transcript-rebuilt; emitter-appended) ---
"""Pipeline reference for scband-ray-aligned-loss-34076270526589 (READ-ONLY COPY).

The authoritative reference and input builder live on the scoring server;
editing this copy changes nothing except your own understanding.
"""

import math
import jax, jax.numpy as jnp
import numpy as np


def _generate_lidar_rays():
    pitch_angles = []
    for k in range(10):
        pitch_angles.append(-(math.pi / 2 - math.atan(k + 1)))
    while pitch_angles[-1] < 0.21:
        delta = pitch_angles[-1] - pitch_angles[-2]
        pitch_angles.append(pitch_angles[-1] + delta)
    rays = []
    for pitch in pitch_angles:
        for az_deg in range(360):
            az = math.radians(az_deg)
            rays.append((math.cos(pitch) * math.cos(az), math.cos(pitch) * math.sin(az), math.sin(pitch)))
    return np.array(rays, dtype=np.float32)


PC_MIN = np.array([-40.0, -40.0, -1.0], dtype=np.float32)
VOXEL = 0.4
GRID = np.array([200, 200, 16], dtype=np.int32)
ORIGIN = np.array([0.9858, 0.0, 1.8402], dtype=np.float32)
FREE = 17
EPS = 1e-06
NUM_RAYS = 2000
MAX_DIST = 60.0
W_PRE = 1.0
W_HIT = 1.0
W_CE = 1.0
LOSS_WEIGHT = 1.0

_RAYS = _generate_lidar_rays()
_DT = (VOXEL / (np.abs(_RAYS).max(axis=1) + 1e-08)).astype(np.float32)
_S_MAX = int(min(np.ceil(MAX_DIST / _DT.min()), 512))
# deterministic ray subsample (reference stand-in for random ray sampling)
_SEL = np.linspace(0, _RAYS.shape[0] - 1, NUM_RAYS).astype(np.int64)


def setup_inputs(seed: int = 0):
    key = jax.random.key(seed)
    k1, k2, k3 = jax.random.split(key, 3)
    occ_logits = jax.random.normal(k1, (2, 200, 200, 16, 18), dtype=jnp.float32)
    voxel_semantics = jax.random.randint(k2, (2, 200, 200, 16), 0, 18, dtype=jnp.int32)
    mask_camera = jax.random.randint(k3, (2, 200, 200, 16), 0, 2, dtype=jnp.int32)
    return {"occ_logits": occ_logits, "voxel_semantics": voxel_semantics, "mask_camera": mask_camera}


def _ray_loss(occ_logits, voxel_semantics, mask_camera):
    B = occ_logits.shape[0]
    X, Y, Z = int(GRID[0]), int(GRID[1]), int(GRID[2])
    C = occ_logits.shape[-1]
    dirs = jnp.asarray(_RAYS[_SEL])
    dts = jnp.asarray(_DT[_SEL])
    S = _S_MAX
    t = (jnp.arange(S, dtype=jnp.float32)[None, :] + 0.5) * dts[:, None]  # [R, S]
    pts = jnp.asarray(ORIGIN)[None, None, :] + dirs[:, None, :] * t[:, :, None]  # [R, S, 3]
    vox = jnp.floor((pts - jnp.asarray(PC_MIN)) / VOXEL).astype(jnp.int32)
    g = jnp.asarray(GRID)
    in_range = jnp.all((vox >= 0) & (vox < g[None, None, :]), axis=-1) & (t <= MAX_DIST)  # [R, S]
    voxc = jnp.clip(vox, 0, g[None, None, :] - 1)
    flat = (voxc[..., 0] * (Y * Z) + voxc[..., 1] * Z + voxc[..., 2]).reshape(-1)  # [R*S]
    # memory-bound gathers of logits / GT / mask along each ray
    logits_along = jnp.take(occ_logits.reshape(B, X * Y * Z, C), flat, axis=1).reshape(B, NUM_RAYS, S, C)
    gt_along = jnp.take(voxel_semantics.reshape(B, -1), flat, axis=1).reshape(B, NUM_RAYS, S)
    m_along = jnp.take(mask_camera.reshape(B, -1), flat, axis=1).reshape(B, NUM_RAYS, S)
    logprobs = jax.nn.log_softmax(logits_along, axis=-1)
    p_occ = jnp.clip(1.0 - jnp.exp(logprobs[..., FREE]), EPS, 1.0 - EPS)
    occupied = (gt_along != FREE) & in_range[None, :, :] & (m_along > 0)
    has_hit = jnp.any(occupied, axis=-1)  # [B, R]
    first_hit = jnp.argmax(occupied, axis=-1)  # [B, R]
    s_idx = jnp.arange(S)[None, None, :]
    pre_mask = ((s_idx < first_hit[..., None]) & in_range[None, :, :] & has_hit[..., None]).astype(jnp.float32)
    hit_mask = ((s_idx == first_hit[..., None]) & has_hit[..., None]).astype(jnp.float32)
    bce_pre = -jnp.log(1.0 - p_occ)  # pre-hit voxels should be free (target 0)
    bce_hit = -jnp.log(p_occ)        # first-hit voxel should be occupied (target 1)
    gt_c = jnp.clip(gt_along, 0, C - 1).astype(jnp.int32)
    ce_hit = -jnp.take_along_axis(logprobs, gt_c[..., None], axis=-1)[..., 0]
    n_pre = jnp.maximum(jnp.sum(pre_mask), 1.0)
    n_hit = jnp.maximum(jnp.sum(hit_mask), 1.0)
    loss = (W_PRE * jnp.sum(bce_pre * pre_mask) / n_pre
            + W_HIT * jnp.sum(bce_hit * hit_mask) / n_hit
            + W_CE * jnp.sum(ce_hit * hit_mask) / n_hit)
    return LOSS_WEIGHT * loss


def reference(occ_logits, voxel_semantics, mask_camera):
    return _ray_loss(occ_logits, voxel_semantics, mask_camera)

if __name__ == "__main__":
    import jax
    _d = setup_inputs()
    print(jax.jit(kernel)(*tuple(_d.values())))

</pallas_src>

<mosaic_0001>
#map = affine_map<(d0, d1) -> (0)>
#map1 = affine_map<(d0, d1) -> (0, 0)>
#map2 = affine_map<(d0, d1) -> (0, 0, 0)>
module attributes {stable_mosaic.version = 14 : i64} {
  func.func @_scan_body(%arg0: i32, %arg1: i32, %arg2: memref<1280000xf32, #tpu.memory_space<hbm>>, %arg3: memref<32x13312xi32, #tpu.memory_space<hbm>>, %arg4: memref<32x128xi32, #tpu.memory_space<hbm>>, %arg5: memref<32x4x16xf32, #tpu.memory_space<hbm>>, %arg6: memref<13312xi32, #tpu.memory_space<vmem>>, %arg7: memref<13312xf32, #tpu.memory_space<vmem>>, %arg8: memref<128xi32, #tpu.memory_space<vmem>>, %arg9: memref<4x16xf32, #tpu.memory_space<vmem>>, %arg10: memref<!tpu.dma_semaphore, #tpu.memory_space<semaphore_mem>>) attributes {dimension_semantics = [#tpu.dimension_semantics<core_parallel>, #tpu.dimension_semantics<subcore_parallel>], iteration_bounds = array<i64: 2, 16>, scalar_prefetch = 0 : i64, scratch_operands = 5 : i64, tpu.core_type = #tpu.core_type<sc_vector_subcore>, window_params = [{transform_indices = #map}, {transform_indices = #map1}, {transform_indices = #map1}, {transform_indices = #map2}]} {
    %mul3A = arith.constant 2 : i32
    %mul3A_0 = arith.muli %arg1, %mul3A : i32
    %add3A = arith.addi %mul3A_0, %arg0 : i32
    "tpu.region"() ({
      %run_scoped3A = tpu.sem_alloc : memref<!tpu.dma_semaphore, #tpu.memory_space<semaphore_mem>>
      %dma_start3A_97 = arith.constant 0 : i32
      %dma_start3A_98 = tpu.memref_slice %arg3[%add3A, %dma_start3A_97] : memref<32x13312xi32, #tpu.memory_space<hbm>> -> memref<1x13312xi32, #tpu.memory_space<hbm>>
      %dma_start3A_99 = tpu.memref_squeeze %dma_start3A_98 : memref<1x13312xi32, #tpu.memory_space<hbm>> -> memref<13312xi32, #tpu.memory_space<hbm>>
      %dma_start3A_100 = arith.constant 0 : i32
      %dma_start3A_101 = tpu.memref_slice %arg3[%add3A, %dma_start3A_100] : memref<32x13312xi32, #tpu.memory_space<hbm>> -> memref<1x13312xi32, #tpu.memory_space<hbm>>
      %dma_start3A_102 = tpu.memref_squeeze %dma_start3A_101 : memref<1x13312xi32, #tpu.memory_space<hbm>> -> memref<13312xi32, #tpu.memory_space<hbm>>
      tpu.enqueue_dma source(%dma_start3A_102 : memref<13312xi32, #tpu.memory_space<hbm>>) target(%arg6 : memref<13312xi32, #tpu.memory_space<vmem>>) target_semaphore(%run_scoped3A : memref<!tpu.dma_semaphore, #tpu.memory_space<semaphore_mem>>)
      %dma_wait3A_103 = arith.constant 0 : i32
      %dma_wait3A_104 = tpu.memref_slice %arg3[%add3A, %dma_wait3A_103] : memref<32x13312xi32, #tpu.memory_space<hbm>> -> memref<1x13312xi32, #tpu.memory_space<hbm>>
      %dma_wait3A_105 = tpu.memref_squeeze %dma_wait3A_104 : memref<1x13312xi32, #tpu.memory_space<hbm>> -> memref<13312xi32, #tpu.memory_space<hbm>>
      %dma_wait3A_106 = arith.constant 0 : i32
      %dma_wait3A_107 = tpu.memref_slice %arg3[%add3A, %dma_wait3A_106] : memref<32x13312xi32, #tpu.memory_space<hbm>> -> memref<1x13312xi32, #tpu.memory_space<hbm>>
      %dma_wait3A_108 = tpu.memref_squeeze %dma_wait3A_107 : memref<1x13312xi32, #tpu.memory_space<hbm>> -> memref<13312xi32, #tpu.memory_space<hbm>>
      tpu.wait_dma2 semaphore(%run_scoped3A : memref<!tpu.dma_semaphore, #tpu.memory_space<semaphore_mem>>) src(%dma_wait3A_108 : memref<13312xi32, #tpu.memory_space<hbm>>) dst(%arg6 : memref<13312xi32, #tpu.memory_space<vmem>>)
      tpu.yield
    }) : () -> ()
    "tpu.region"() ({
      %run_scoped3A = tpu.sem_alloc : memref<!tpu.dma_semaphore, #tpu.memory_space<semaphore_mem>>
      %dma_start3A_97 = arith.constant 0 : i32
      %dma_start3A_98 = tpu.memref_slice %arg4[%add3A, %dma_start3A_97] : memref<32x128xi32, #tpu.memory_space<hbm>> -> memref<1x128xi32, #tpu.memory_space<hbm>>
      %dma_start3A_99 = tpu.memref_squeeze %dma_start3A_98 : memref<1x128xi32, #tpu.memory_space<hbm>> -> memref<128xi32, #tpu.memory_space<hbm>>
      %dma_start3A_100 = arith.constant 0 : i32
      %dma_start3A_101 = tpu.memref_slice %arg4[%add3A, %dma_start3A_100] : memref<32x128xi32, #tpu.memory_space<hbm>> -> memref<1x128xi32, #tpu.memory_space<hbm>>
      %dma_start3A_102 = tpu.memref_squeeze %dma_start3A_101 : memref<1x128xi32, #tpu.memory_space<hbm>> -> memref<128xi32, #tpu.memory_space<hbm>>
      tpu.enqueue_dma source(%dma_start3A_102 : memref<128xi32, #tpu.memory_space<hbm>>) target(%arg8 : memref<128xi32, #tpu.memory_space<vmem>>) target_semaphore(%run_scoped3A : memref<!tpu.dma_semaphore, #tpu.memory_space<semaphore_mem>>)
      %dma_wait3A_103 = arith.constant 0 : i32
      %dma_wait3A_104 = tpu.memref_slice %arg4[%add3A, %dma_wait3A_103] : memref<32x128xi32, #tpu.memory_space<hbm>> -> memref<1x128xi32, #tpu.memory_space<hbm>>
      %dma_wait3A_105 = tpu.memref_squeeze %dma_wait3A_104 : memref<1x128xi32, #tpu.memory_space<hbm>> -> memref<128xi32, #tpu.memory_space<hbm>>
      %dma_wait3A_106 = arith.constant 0 : i32
      %dma_wait3A_107 = tpu.memref_slice %arg4[%add3A, %dma_wait3A_106] : memref<32x128xi32, #tpu.memory_space<hbm>> -> memref<1x128xi32, #tpu.memory_space<hbm>>
      %dma_wait3A_108 = tpu.memref_squeeze %dma_wait3A_107 : memref<1x128xi32, #tpu.memory_space<hbm>> -> memref<128xi32, #tpu.memory_space<hbm>>
      tpu.wait_dma2 semaphore(%run_scoped3A : memref<!tpu.dma_semaphore, #tpu.memory_space<semaphore_mem>>) src(%dma_wait3A_108 : memref<128xi32, #tpu.memory_space<hbm>>) dst(%arg8 : memref<128xi32, #tpu.memory_space<vmem>>)
      tpu.yield
    }) : () -> ()
    %dma_start3A = arith.constant 0 : i32
    %dma_start3A_1 = tpu.memref_slice %arg2[%dma_start3A] : memref<1280000xf32, #tpu.memory_space<hbm>> -> memref<1280000xf32, #tpu.memory_space<hbm>>
    tpu.enqueue_indirect_dma source(%dma_start3A_1 : memref<1280000xf32, #tpu.memory_space<hbm>>) target(%arg7 : memref<13312xf32, #tpu.memory_space<vmem>>) offsets(%arg6 : memref<13312xi32, #tpu.memory_space<vmem>>) semaphore(%arg10 : memref<!tpu.dma_semaphore, #tpu.memory_space<semaphore_mem>>)
    %dma_wait3A = arith.constant 0 : i32
    %dma_wait3A_2 = tpu.memref_slice %arg2[%dma_wait3A] : memref<1280000xf32, #tpu.memory_space<hbm>> -> memref<1280000xf32, #tpu.memory_space<hbm>>
    tpu.wait_indirect_dma semaphore(%arg10 : memref<!tpu.dma_semaphore, #tpu.memory_space<semaphore_mem>>) src(%dma_wait3A_2 : memref<1280000xf32, #tpu.memory_space<hbm>>) dst(%arg7 : memref<13312xf32, #tpu.memory_space<vmem>>)
    %broadcast_in_dim3A = arith.constant 0.000000e+00 : f32
    %broadcast_in_dim3A_3 = vector.broadcast %broadcast_in_dim3A : f32 to vector<16xf32>
    %get3A = arith.constant 0 : index
    %get3A_4 = tpu.vector_load %arg8[%get3A] {strides = array<i32>} : memref<128xi32, #tpu.memory_space<vmem>>, vector<16xi32>,
    %get3A_5 = vector.shape_cast %get3A_4 : vector<16xi32> to vector<16xi32>
    %scan3A = arith.constant 0 : i32
    %scan3A_6 = arith.constant 104 : i32
    %scan3A_7 = arith.addi %scan3A, %scan3A_6 : i32
    %scan3A_8 = arith.constant 1 : i32
    %scan3A_9:7 = scf.for %scan3A_97 = %scan3A to %scan3A_7 step %scan3A_8 iter_args(%scan3A_98 = %broadcast_in_dim3A_3, %scan3A_99 = %broadcast_in_dim3A_3, %scan3A_100 = %broadcast_in_dim3A_3, %scan3A_101 = %broadcast_in_dim3A_3, %scan3A_102 = %broadcast_in_dim3A_3, %scan3A_103 = %broadcast_in_dim3A_3, %scan3A_104 = %broadcast_in_dim3A_3) -> (vector<16xf32>, vector<16xf32>, vector<16xf32>, vector<16xf32>, vector<16xf32>, vector<16xf32>, vector<16xf32>)  : i32 {
      %mul3A_105 = arith.constant 16 : i32
      %mul3A_106 = arith.muli %scan3A_97, %mul3A_105 : i32
      %add3A_107 = arith.constant 0 : i32
      %add3A_108 = arith.addi %add3A_107, %mul3A_106 : i32
      %get3A_109 = arith.index_cast %add3A_108 : i32 to index
      %get3A_110 = tpu.vector_load %arg7[%get3A_109] {strides = array<i32>} : memref<13312xf32, #tpu.memory_space<vmem>>, vector<16xf32>,
      %get3A_111 = vector.shape_cast %get3A_110 : vector<16xf32> to vector<16xf32>
      %gt3A = arith.constant 0.000000e+00 : f32
      %gt3A_112 = vector.broadcast %gt3A : f32 to vector<16xf32>
      %gt3A_113 = arith.cmpf ogt, %get3A_111, %gt3A_112 : vector<16xf32>
      %jit3A = arith.constant 1.000000e+00 : f32
      %jit3A_114 = arith.constant 0.000000e+00 : f32
      %broadcast_in_dim3A_115 = vector.broadcast %jit3A : f32 to vector<16xf32>
      %broadcast_in_dim3A_116 = vector.broadcast %jit3A_114 : f32 to vector<16xf32>
      %select_n3A = arith.select %gt3A_113, %broadcast_in_dim3A_115, %broadcast_in_dim3A_116 : vector<16xi1>, vector<16xf32>
      %lt3A = vector.broadcast %scan3A_97 : i32 to vector<16xi32>
      %lt3A_117 = arith.cmpi slt, %lt3A, %get3A_5 : vector<16xi32>
      %jit3A_118 = arith.constant 1.000000e+00 : f32
      %jit3A_119 = arith.constant 0.000000e+00 : f32
      %broadcast_in_dim3A_120 = vector.broadcast %jit3A_118 : f32 to vector<16xf32>
      %broadcast_in_dim3A_121 = vector.broadcast %jit3A_119 : f32 to vector<16xf32>
      %select_n3A_122 = arith.select %lt3A_117, %broadcast_in_dim3A_120, %broadcast_in_dim3A_121 : vector<16xi1>, vector<16xf32>
      %sub3A = arith.constant 1.000000e+00 : f32
      %sub3A_123 = vector.broadcast %sub3A : f32 to vector<16xf32>
      %sub3A_124 = arith.subf %sub3A_123, %scan3A_98 : vector<16xf32>
      %mul3A_125 = arith.mulf %sub3A_124, %select_n3A_122 : vector<16xf32>
      %mul3A_126 = arith.mulf %select_n3A, %mul3A_125 : vector<16xf32>
      %mul3A_127 = arith.mulf %mul3A_126, %scan3A_99 : vector<16xf32>
      %add3A_128 = arith.addf %scan3A_101, %mul3A_127 : vector<16xf32>
      %mul3A_129 = arith.mulf %mul3A_126, %scan3A_100 : vector<16xf32>
      %add3A_130 = arith.addf %scan3A_102, %mul3A_129 : vector<16xf32>
      %mul3A_131 = arith.mulf %mul3A_126, %get3A_111 : vector<16xf32>
      %add3A_132 = arith.addf %scan3A_103, %mul3A_131 : vector<16xf32>
      %add3A_133 = arith.addf %scan3A_104, %mul3A_126 : vector<16xf32>
      %add3A_134 = arith.addf %scan3A_98, %mul3A_126 : vector<16xf32>
      %sub3A_135 = arith.constant 1.000000e+00 : f32
      %sub3A_136 = vector.broadcast %sub3A_135 : f32 to vector<16xf32>
      %sub3A_137 = arith.subf %sub3A_136, %select_n3A : vector<16xf32>
      %mul3A_138 = arith.mulf %mul3A_125, %sub3A_137 : vector<16xf32>
      %mul3A_139 = arith.mulf %mul3A_138, %get3A_111 : vector<16xf32>
      %sub3A_140 = arith.subf %scan3A_99, %mul3A_139 : vector<16xf32>
      %add3A_141 = arith.addf %scan3A_100, %mul3A_138 : vector<16xf32>
      scf.yield %add3A_134, %sub3A_140, %add3A_141, %add3A_128, %add3A_130, %add3A_132, %add3A_133 : vector<16xf32>, vector<16xf32>, vector<16xf32>, vector<16xf32>, vector<16xf32>, vector<16xf32>, vector<16xf32>
    }
    %scan3A_10 = arith.constant 104 : i32
    %get3A_11 = arith.constant 16 : index
    %get3A_12 = tpu.vector_load %arg8[%get3A_11] {strides = array<i32>} : memref<128xi32, #tpu.memory_space<vmem>>, vector<16xi32>,
    %get3A_13 = vector.shape_cast %get3A_12 : vector<16xi32> to vector<16xi32>
    %scan3A_14 = arith.constant 0 : i32
    %scan3A_15 = arith.constant 104 : i32
    %scan3A_16 = arith.addi %scan3A_14, %scan3A_15 : i32
    %scan3A_17 = arith.constant 1 : i32
    %scan3A_18:7 = scf.for %scan3A_97 = %scan3A_14 to %scan3A_16 step %scan3A_17 iter_args(%scan3A_98 = %broadcast_in_dim3A_3, %scan3A_99 = %broadcast_in_dim3A_3, %scan3A_100 = %broadcast_in_dim3A_3, %scan3A_101 = %scan3A_9#3, %scan3A_102 = %scan3A_9#4, %scan3A_103 = %scan3A_9#5, %scan3A_104 = %scan3A_9#6) -> (vector<16xf32>, vector<16xf32>, vector<16xf32>, vector<16xf32>, vector<16xf32>, vector<16xf32>, vector<16xf32>)  : i32 {
      %mul3A_105 = arith.constant 16 : i32
      %mul3A_106 = arith.muli %scan3A_97, %mul3A_105 : i32
      %add3A_107 = arith.constant 1664 : i32
      %add3A_108 = arith.addi %add3A_107, %mul3A_106 : i32
      %get3A_109 = arith.index_cast %add3A_108 : i32 to index
      %get3A_110 = tpu.vector_load %arg7[%get3A_109] {strides = array<i32>} : memref<13312xf32, #tpu.memory_space<vmem>>, vector<16xf32>,
      %get3A_111 = vector.shape_cast %get3A_110 : vector<16xf32> to vector<16xf32>
      %gt3A = arith.constant 0.000000e+00 : f32
      %gt3A_112 = vector.broadcast %gt3A : f32 to vector<16xf32>
      %gt3A_113 = arith.cmpf ogt, %get3A_111, %gt3A_112 : vector<16xf32>
      %jit3A = arith.constant 1.000000e+00 : f32
      %jit3A_114 = arith.constant 0.000000e+00 : f32
      %broadcast_in_dim3A_115 = vector.broadcast %jit3A : f32 to vector<16xf32>
      %broadcast_in_dim3A_116 = vector.broadcast %jit3A_114 : f32 to vector<16xf32>
      %select_n3A = arith.select %gt3A_113, %broadcast_in_dim3A_115, %broadcast_in_dim3A_116 : vector<16xi1>, vector<16xf32>
      %lt3A = vector.broadcast %scan3A_97 : i32 to vector<16xi32>
      %lt3A_117 = arith.cmpi slt, %lt3A, %get3A_13 : vector<16xi32>
      %jit3A_118 = arith.constant 1.000000e+00 : f32
      %jit3A_119 = arith.constant 0.000000e+00 : f32
      %broadcast_in_dim3A_120 = vector.broadcast %jit3A_118 : f32 to vector<16xf32>
      %broadcast_in_dim3A_121 = vector.broadcast %jit3A_119 : f32 to vector<16xf32>
      %select_n3A_122 = arith.select %lt3A_117, %broadcast_in_dim3A_120, %broadcast_in_dim3A_121 : vector<16xi1>, vector<16xf32>
      %sub3A = arith.constant 1.000000e+00 : f32
      %sub3A_123 = vector.broadcast %sub3A : f32 to vector<16xf32>
      %sub3A_124 = arith.subf %sub3A_123, %scan3A_98 : vector<16xf32>
      %mul3A_125 = arith.mulf %sub3A_124, %select_n3A_122 : vector<16xf32>
      %mul3A_126 = arith.mulf %select_n3A, %mul3A_125 : vector<16xf32>
      %mul3A_127 = arith.mulf %mul3A_126, %scan3A_99 : vector<16xf32>
      %add3A_128 = arith.addf %scan3A_101, %mul3A_127 : vector<16xf32>
      %mul3A_129 = arith.mulf %mul3A_126, %scan3A_100 : vector<16xf32>
      %add3A_130 = arith.addf %scan3A_102, %mul3A_129 : vector<16xf32>
      %mul3A_131 = arith.mulf %mul3A_126, %get3A_111 : vector<16xf32>
      %add3A_132 = arith.addf %scan3A_103, %mul3A_131 : vector<16xf32>
      %add3A_133 = arith.addf %scan3A_104, %mul3A_126 : vector<16xf32>
      %add3A_134 = arith.addf %scan3A_98, %mul3A_126 : vector<16xf32>
      %sub3A_135 = arith.constant 1.000000e+00 : f32
      %sub3A_136 = vector.broadcast %sub3A_135 : f32 to vector<16xf32>
      %sub3A_137 = arith.subf %sub3A_136, %select_n3A : vector<16xf32>
      %mul3A_138 = arith.mulf %mul3A_125, %sub3A_137 : vector<16xf32>
      %mul3A_139 = arith.mulf %mul3A_138, %get3A_111 : vector<16xf32>
      %sub3A_140 = arith.subf %scan3A_99, %mul3A_139 : vector<16xf32>
      %add3A_141 = arith.addf %scan3A_100, %mul3A_138 : vector<16xf32>
      scf.yield %add3A_134, %sub3A_140, %add3A_141, %add3A_128, %add3A_130, %add3A_132, %add3A_133 : vector<16xf32>, vector<16xf32>, vector<16xf32>, vector<16xf32>, vector<16xf32>, vector<16xf32>, vector<16xf32>
    }
    %scan3A_19 = arith.constant 104 : i32
    %get3A_20 = arith.constant 32 : index
    %get3A_21 = tpu.vector_load %arg8[%get3A_20] {strides = array<i32>} : memref<128xi32, #tpu.memory_space<vmem>>, vector<16xi32>,
    %get3A_22 = vector.shape_cast %get3A_21 : vector<16xi32> to vector<16xi32>
    %scan3A_23 = arith.constant 0 : i32
    %scan3A_24 = arith.constant 104 : i32
    %scan3A_25 = arith.addi %scan3A_23, %scan3A_24 : i32
    %scan3A_26 = arith.constant 1 : i32
    %scan3A_27:7 = scf.for %scan3A_97 = %scan3A_23 to %scan3A_25 step %scan3A_26 iter_args(%scan3A_98 = %broadcast_in_dim3A_3, %scan3A_99 = %broadcast_in_dim3A_3, %scan3A_100 = %broadcast_in_dim3A_3, %scan3A_101 = %scan3A_18#3, %scan3A_102 = %scan3A_18#4, %scan3A_103 = %scan3A_18#5, %scan3A_104 = %scan3A_18#6) -> (vector<16xf32>, vector<16xf32>, vector<16xf32>, vector<16xf32>, vector<16xf32>, vector<16xf32>, vector<16xf32>)  : i32 {
      %mul3A_105 = arith.constant 16 : i32
      %mul3A_106 = arith.muli %scan3A_97, %mul3A_105 : i32
      %add3A_107 = arith.constant 3328 : i32
      %add3A_108 = arith.addi %add3A_107, %mul3A_106 : i32
      %get3A_109 = arith.index_cast %add3A_108 : i32 to index
      %get3A_110 = tpu.vector_load %arg7[%get3A_109] {strides = array<i32>} : memref<13312xf32, #tpu.memory_space<vmem>>, vector<16xf32>,
      %get3A_111 = vector.shape_cast %get3A_110 : vector<16xf32> to vector<16xf32>
      %gt3A = arith.constant 0.000000e+00 : f32
      %gt3A_112 = vector.broadcast %gt3A : f32 to vector<16xf32>
      %gt3A_113 = arith.cmpf ogt, %get3A_111, %gt3A_112 : vector<16xf32>
      %jit3A = arith.constant 1.000000e+00 : f32
      %jit3A_114 = arith.constant 0.000000e+00 : f32
      %broadcast_in_dim3A_115 = vector.broadcast %jit3A : f32 to vector<16xf32>
      %broadcast_in_dim3A_116 = vector.broadcast %jit3A_114 : f32 to vector<16xf32>
      %select_n3A = arith.select %gt3A_113, %broadcast_in_dim3A_115, %broadcast_in_dim3A_116 : vector<16xi1>, vector<16xf32>
      %lt3A = vector.broadcast %scan3A_97 : i32 to vector<16xi32>
      %lt3A_117 = arith.cmpi slt, %lt3A, %get3A_22 : vector<16xi32>
      %jit3A_118 = arith.constant 1.000000e+00 : f32
      %jit3A_119 = arith.constant 0.000000e+00 : f32
      %broadcast_in_dim3A_120 = vector.broadcast %jit3A_118 : f32 to vector<16xf32>
      %broadcast_in_dim3A_121 = vector.broadcast %jit3A_119 : f32 to vector<16xf32>
      %select_n3A_122 = arith.select %lt3A_117, %broadcast_in_dim3A_120, %broadcast_in_dim3A_121 : vector<16xi1>, vector<16xf32>
      %sub3A = arith.constant 1.000000e+00 : f32
      %sub3A_123 = vector.broadcast %sub3A : f32 to vector<16xf32>
      %sub3A_124 = arith.subf %sub3A_123, %scan3A_98 : vector<16xf32>
      %mul3A_125 = arith.mulf %sub3A_124, %select_n3A_122 : vector<16xf32>
      %mul3A_126 = arith.mulf %select_n3A, %mul3A_125 : vector<16xf32>
      %mul3A_127 = arith.mulf %mul3A_126, %scan3A_99 : vector<16xf32>
      %add3A_128 = arith.addf %scan3A_101, %mul3A_127 : vector<16xf32>
      %mul3A_129 = arith.mulf %mul3A_126, %scan3A_100 : vector<16xf32>
      %add3A_130 = arith.addf %scan3A_102, %mul3A_129 : vector<16xf32>
      %mul3A_131 = arith.mulf %mul3A_126, %get3A_111 : vector<16xf32>
      %add3A_132 = arith.addf %scan3A_103, %mul3A_131 : vector<16xf32>
      %add3A_133 = arith.addf %scan3A_104, %mul3A_126 : vector<16xf32>
      %add3A_134 = arith.addf %scan3A_98, %mul3A_126 : vector<16xf32>
      %sub3A_135 = arith.constant 1.000000e+00 : f32
      %sub3A_136 = vector.broadcast %sub3A_135 : f32 to vector<16xf32>
      %sub3A_137 = arith.subf %sub3A_136, %select_n3A : vector<16xf32>
      %mul3A_138 = arith.mulf %mul3A_125, %sub3A_137 : vector<16xf32>
      %mul3A_139 = arith.mulf %mul3A_138, %get3A_111 : vector<16xf32>
      %sub3A_140 = arith.subf %scan3A_99, %mul3A_139 : vector<16xf32>
      %add3A_141 = arith.addf %scan3A_100, %mul3A_138 : vector<16xf32>
      scf.yield %add3A_134, %sub3A_140, %add3A_141, %add3A_128, %add3A_130, %add3A_132, %add3A_133 : vector<16xf32>, vector<16xf32>, vector<16xf32>, vector<16xf32>, vector<16xf32>, vector<16xf32>, vector<16xf32>
    }
    %scan3A_28 = arith.constant 104 : i32
    %get3A_29 = arith.constant 48 : index
    %get3A_30 = tpu.vector_load %arg8[%get3A_29] {strides = array<i32>} : memref<128xi32, #tpu.memory_space<vmem>>, vector<16xi32>,
    %get3A_31 = vector.shape_cast %get3A_30 : vector<16xi32> to vector<16xi32>
    %scan3A_32 = arith.constant 0 : i32
    %scan3A_33 = arith.constant 104 : i32
    %scan3A_34 = arith.addi %scan3A_32, %scan3A_33 : i32
    %scan3A_35 = arith.constant 1 : i32
    %scan3A_36:7 = scf.for %scan3A_97 = %scan3A_32 to %scan3A_34 step %scan3A_35 iter_args(%scan3A_98 = %broadcast_in_dim3A_3, %scan3A_99 = %broadcast_in_dim3A_3, %scan3A_100 = %broadcast_in_dim3A_3, %scan3A_101 = %scan3A_27#3, %scan3A_102 = %scan3A_27#4, %scan3A_103 = %scan3A_27#5, %scan3A_104 = %scan3A_27#6) -> (vector<16xf32>, vector<16xf32>, vector<16xf32>, vector<16xf32>, vector<16xf32>, vector<16xf32>, vector<16xf32>)  : i32 {
      %mul3A_105 = arith.constant 16 : i32
      %mul3A_106 = arith.muli %scan3A_97, %mul3A_105 : i32
      %add3A_107 = arith.constant 4992 : i32
      %add3A_108 = arith.addi %add3A_107, %mul3A_106 : i32
      %get3A_109 = arith.index_cast %add3A_108 : i32 to index
      %get3A_110 = tpu.vector_load %arg7[%get3A_109] {strides = array<i32>} : memref<13312xf32, #tpu.memory_space<vmem>>, vector<16xf32>,
      %get3A_111 = vector.shape_cast %get3A_110 : vector<16xf32> to vector<16xf32>
      %gt3A = arith.constant 0.000000e+00 : f32
      %gt3A_112 = vector.broadcast %gt3A : f32 to vector<16xf32>
      %gt3A_113 = arith.cmpf ogt, %get3A_111, %gt3A_112 : vector<16xf32>
      %jit3A = arith.constant 1.000000e+00 : f32
      %jit3A_114 = arith.constant 0.000000e+00 : f32
      %broadcast_in_dim3A_115 = vector.broadcast %jit3A : f32 to vector<16xf32>
      %broadcast_in_dim3A_116 = vector.broadcast %jit3A_114 : f32 to vector<16xf32>
      %select_n3A = arith.select %gt3A_113, %broadcast_in_dim3A_115, %broadcast_in_dim3A_116 : vector<16xi1>, vector<16xf32>
      %lt3A = vector.broadcast %scan3A_97 : i32 to vector<16xi32>
      %lt3A_117 = arith.cmpi slt, %lt3A, %get3A_31 : vector<16xi32>
      %jit3A_118 = arith.constant 1.000000e+00 : f32
      %jit3A_119 = arith.constant 0.000000e+00 : f32
      %broadcast_in_dim3A_120 = vector.broadcast %jit3A_118 : f32 to vector<16xf32>
      %broadcast_in_dim3A_121 = vector.broadcast %jit3A_119 : f32 to vector<16xf32>
      %select_n3A_122 = arith.select %lt3A_117, %broadcast_in_dim3A_120, %broadcast_in_dim3A_121 : vector<16xi1>, vector<16xf32>
      %sub3A = arith.constant 1.000000e+00 : f32
      %sub3A_123 = vector.broadcast %sub3A : f32 to vector<16xf32>
      %sub3A_124 = arith.subf %sub3A_123, %scan3A_98 : vector<16xf32>
      %mul3A_125 = arith.mulf %sub3A_124, %select_n3A_122 : vector<16xf32>
      %mul3A_126 = arith.mulf %select_n3A, %mul3A_125 : vector<16xf32>
      %mul3A_127 = arith.mulf %mul3A_126, %scan3A_99 : vector<16xf32>
      %add3A_128 = arith.addf %scan3A_101, %mul3A_127 : vector<16xf32>
      %mul3A_129 = arith.mulf %mul3A_126, %scan3A_100 : vector<16xf32>
      %add3A_130 = arith.addf %scan3A_102, %mul3A_129 : vector<16xf32>
      %mul3A_131 = arith.mulf %mul3A_126, %get3A_111 : vector<16xf32>
      %add3A_132 = arith.addf %scan3A_103, %mul3A_131 : vector<16xf32>
      %add3A_133 = arith.addf %scan3A_104, %mul3A_126 : vector<16xf32>
      %add3A_134 = arith.addf %scan3A_98, %mul3A_126 : vector<16xf32>
      %sub3A_135 = arith.constant 1.000000e+00 : f32
      %sub3A_136 = vector.broadcast %sub3A_135 : f32 to vector<16xf32>
      %sub3A_137 = arith.subf %sub3A_136, %select_n3A : vector<16xf32>
      %mul3A_138 = arith.mulf %mul3A_125, %sub3A_137 : vector<16xf32>
      %mul3A_139 = arith.mulf %mul3A_138, %get3A_111 : vector<16xf32>
      %sub3A_140 = arith.subf %scan3A_99, %mul3A_139 : vector<16xf32>
      %add3A_141 = arith.addf %scan3A_100, %mul3A_138 : vector<16xf32>
      scf.yield %add3A_134, %sub3A_140, %add3A_141, %add3A_128, %add3A_130, %add3A_132, %add3A_133 : vector<16xf32>, vector<16xf32>, vector<16xf32>, vector<16xf32>, vector<16xf32>, vector<16xf32>, vector<16xf32>
    }
    %scan3A_37 = arith.constant 104 : i32
    %get3A_38 = arith.constant 64 : index
    %get3A_39 = tpu.vector_load %arg8[%get3A_38] {strides = array<i32>} : memref<128xi32, #tpu.memory_space<vmem>>, vector<16xi32>,
    %get3A_40 = vector.shape_cast %get3A_39 : vector<16xi32> to vector<16xi32>
    %scan3A_41 = arith.constant 0 : i32
    %scan3A_42 = arith.constant 104 : i32
    %scan3A_43 = arith.addi %scan3A_41, %scan3A_42 : i32
    %scan3A_44 = arith.constant 1 : i32
    %scan3A_45:7 = scf.for %scan3A_97 = %scan3A_41 to %scan3A_43 step %scan3A_44 iter_args(%scan3A_98 = %broadcast_in_dim3A_3, %scan3A_99 = %broadcast_in_dim3A_3, %scan3A_100 = %broadcast_in_dim3A_3, %scan3A_101 = %scan3A_36#3, %scan3A_102 = %scan3A_36#4, %scan3A_103 = %scan3A_36#5, %scan3A_104 = %scan3A_36#6) -> (vector<16xf32>, vector<16xf32>, vector<16xf32>, vector<16xf32>, vector<16xf32>, vector<16xf32>, vector<16xf32>)  : i32 {
      %mul3A_105 = arith.constant 16 : i32
      %mul3A_106 = arith.muli %scan3A_97, %mul3A_105 : i32
      %add3A_107 = arith.constant 6656 : i32
      %add3A_108 = arith.addi %add3A_107, %mul3A_106 : i32
      %get3A_109 = arith.index_cast %add3A_108 : i32 to index
      %get3A_110 = tpu.vector_load %arg7[%get3A_109] {strides = array<i32>} : memref<13312xf32, #tpu.memory_space<vmem>>, vector<16xf32>,
      %get3A_111 = vector.shape_cast %get3A_110 : vector<16xf32> to vector<16xf32>
      %gt3A = arith.constant 0.000000e+00 : f32
      %gt3A_112 = vector.broadcast %gt3A : f32 to vector<16xf32>
      %gt3A_113 = arith.cmpf ogt, %get3A_111, %gt3A_112 : vector<16xf32>
      %jit3A = arith.constant 1.000000e+00 : f32
      %jit3A_114 = arith.constant 0.000000e+00 : f32
      %broadcast_in_dim3A_115 = vector.broadcast %jit3A : f32 to vector<16xf32>
      %broadcast_in_dim3A_116 = vector.broadcast %jit3A_114 : f32 to vector<16xf32>
      %select_n3A = arith.select %gt3A_113, %broadcast_in_dim3A_115, %broadcast_in_dim3A_116 : vector<16xi1>, vector<16xf32>
      %lt3A = vector.broadcast %scan3A_97 : i32 to vector<16xi32>
      %lt3A_117 = arith.cmpi slt, %lt3A, %get3A_40 : vector<16xi32>
      %jit3A_118 = arith.constant 1.000000e+00 : f32
      %jit3A_119 = arith.constant 0.000000e+00 : f32
      %broadcast_in_dim3A_120 = vector.broadcast %jit3A_118 : f32 to vector<16xf32>
      %broadcast_in_dim3A_121 = vector.broadcast %jit3A_119 : f32 to vector<16xf32>
      %select_n3A_122 = arith.select %lt3A_117, %broadcast_in_dim3A_120, %broadcast_in_dim3A_121 : vector<16xi1>, vector<16xf32>
      %sub3A = arith.constant 1.000000e+00 : f32
      %sub3A_123 = vector.broadcast %sub3A : f32 to vector<16xf32>
      %sub3A_124 = arith.subf %sub3A_123, %scan3A_98 : vector<16xf32>
      %mul3A_125 = arith.mulf %sub3A_124, %select_n3A_122 : vector<16xf32>
      %mul3A_126 = arith.mulf %select_n3A, %mul3A_125 : vector<16xf32>
      %mul3A_127 = arith.mulf %mul3A_126, %scan3A_99 : vector<16xf32>
      %add3A_128 = arith.addf %scan3A_101, %mul3A_127 : vector<16xf32>
      %mul3A_129 = arith.mulf %mul3A_126, %scan3A_100 : vector<16xf32>
      %add3A_130 = arith.addf %scan3A_102, %mul3A_129 : vector<16xf32>
      %mul3A_131 = arith.mulf %mul3A_126, %get3A_111 : vector<16xf32>
      %add3A_132 = arith.addf %scan3A_103, %mul3A_131 : vector<16xf32>
      %add3A_133 = arith.addf %scan3A_104, %mul3A_126 : vector<16xf32>
      %add3A_134 = arith.addf %scan3A_98, %mul3A_126 : vector<16xf32>
      %sub3A_135 = arith.constant 1.000000e+00 : f32
      %sub3A_136 = vector.broadcast %sub3A_135 : f32 to vector<16xf32>
      %sub3A_137 = arith.subf %sub3A_136, %select_n3A : vector<16xf32>
      %mul3A_138 = arith.mulf %mul3A_125, %sub3A_137 : vector<16xf32>
      %mul3A_139 = arith.mulf %mul3A_138, %get3A_111 : vector<16xf32>
      %sub3A_140 = arith.subf %scan3A_99, %mul3A_139 : vector<16xf32>
      %add3A_141 = arith.addf %scan3A_100, %mul3A_138 : vector<16xf32>
      scf.yield %add3A_134, %sub3A_140, %add3A_141, %add3A_128, %add3A_130, %add3A_132, %add3A_133 : vector<16xf32>, vector<16xf32>, vector<16xf32>, vector<16xf32>, vector<16xf32>, vector<16xf32>, vector<16xf32>
    }
    %scan3A_46 = arith.constant 104 : i32
    %get3A_47 = arith.constant 80 : index
    %get3A_48 = tpu.vector_load %arg8[%get3A_47] {strides = array<i32>} : memref<128xi32, #tpu.memory_space<vmem>>, vector<16xi32>,
    %get3A_49 = vector.shape_cast %get3A_48 : vector<16xi32> to vector<16xi32>
    %scan3A_50 = arith.constant 0 : i32
    %scan3A_51 = arith.constant 104 : i32
    %scan3A_52 = arith.addi %scan3A_50, %scan3A_51 : i32
    %scan3A_53 = arith.constant 1 : i32
    %scan3A_54:7 = scf.for %scan3A_97 = %scan3A_50 to %scan3A_52 step %scan3A_53 iter_args(%scan3A_98 = %broadcast_in_dim3A_3, %scan3A_99 = %broadcast_in_dim3A_3, %scan3A_100 = %broadcast_in_dim3A_3, %scan3A_101 = %scan3A_45#3, %scan3A_102 = %scan3A_45#4, %scan3A_103 = %scan3A_45#5, %scan3A_104 = %scan3A_45#6) -> (vector<16xf32>, vector<16xf32>, vector<16xf32>, vector<16xf32>, vector<16xf32>, vector<16xf32>, vector<16xf32>)  : i32 {
      %mul3A_105 = arith.constant 16 : i32
      %mul3A_106 = arith.muli %scan3A_97, %mul3A_105 : i32
      %add3A_107 = arith.constant 8320 : i32
      %add3A_108 = arith.addi %add3A_107, %mul3A_106 : i32
      %get3A_109 = arith.index_cast %add3A_108 : i32 to index
      %get3A_110 = tpu.vector_load %arg7[%get3A_109] {strides = array<i32>} : memref<13312xf32, #tpu.memory_space<vmem>>, vector<16xf32>,
      %get3A_111 = vector.shape_cast %get3A_110 : vector<16xf32> to vector<16xf32>
      %gt3A = arith.constant 0.000000e+00 : f32
      %gt3A_112 = vector.broadcast %gt3A : f32 to vector<16xf32>
      %gt3A_113 = arith.cmpf ogt, %get3A_111, %gt3A_112 : vector<16xf32>
      %jit3A = arith.constant 1.000000e+00 : f32
      %jit3A_114 = arith.constant 0.000000e+00 : f32
      %broadcast_in_dim3A_115 = vector.broadcast %jit3A : f32 to vector<16xf32>
      %broadcast_in_dim3A_116 = vector.broadcast %jit3A_114 : f32 to vector<16xf32>
      %select_n3A = arith.select %gt3A_113, %broadcast_in_dim3A_115, %broadcast_in_dim3A_116 : vector<16xi1>, vector<16xf32>
      %lt3A = vector.broadcast %scan3A_97 : i32 to vector<16xi32>
      %lt3A_117 = arith.cmpi slt, %lt3A, %get3A_49 : vector<16xi32>
      %jit3A_118 = arith.constant 1.000000e+00 : f32
      %jit3A_119 = arith.constant 0.000000e+00 : f32
      %broadcast_in_dim3A_120 = vector.broadcast %jit3A_118 : f32 to vector<16xf32>
      %broadcast_in_dim3A_121 = vector.broadcast %jit3A_119 : f32 to vector<16xf32>
      %select_n3A_122 = arith.select %lt3A_117, %broadcast_in_dim3A_120, %broadcast_in_dim3A_121 : vector<16xi1>, vector<16xf32>
      %sub3A = arith.constant 1.000000e+00 : f32
      %sub3A_123 = vector.broadcast %sub3A : f32 to vector<16xf32>
      %sub3A_124 = arith.subf %sub3A_123, %scan3A_98 : vector<16xf32>
      %mul3A_125 = arith.mulf %sub3A_124, %select_n3A_122 : vector<16xf32>
      %mul3A_126 = arith.mulf %select_n3A, %mul3A_125 : vector<16xf32>
      %mul3A_127 = arith.mulf %mul3A_126, %scan3A_99 : vector<16xf32>
      %add3A_128 = arith.addf %scan3A_101, %mul3A_127 : vector<16xf32>
      %mul3A_129 = arith.mulf %mul3A_126, %scan3A_100 : vector<16xf32>
      %add3A_130 = arith.addf %scan3A_102, %mul3A_129 : vector<16xf32>
      %mul3A_131 = arith.mulf %mul3A_126, %get3A_111 : vector<16xf32>
      %add3A_132 = arith.addf %scan3A_103, %mul3A_131 : vector<16xf32>
      %add3A_133 = arith.addf %scan3A_104, %mul3A_126 : vector<16xf32>
      %add3A_134 = arith.addf %scan3A_98, %mul3A_126 : vector<16xf32>
      %sub3A_135 = arith.constant 1.000000e+00 : f32
      %sub3A_136 = vector.broadcast %sub3A_135 : f32 to vector<16xf32>
      %sub3A_137 = arith.subf %sub3A_136, %select_n3A : vector<16xf32>
      %mul3A_138 = arith.mulf %mul3A_125, %sub3A_137 : vector<16xf32>
      %mul3A_139 = arith.mulf %mul3A_138, %get3A_111 : vector<16xf32>
      %sub3A_140 = arith.subf %scan3A_99, %mul3A_139 : vector<16xf32>
      %add3A_141 = arith.addf %scan3A_100, %mul3A_138 : vector<16xf32>
      scf.yield %add3A_134, %sub3A_140, %add3A_141, %add3A_128, %add3A_130, %add3A_132, %add3A_133 : vector<16xf32>, vector<16xf32>, vector<16xf32>, vector<16xf32>, vector<16xf32>, vector<16xf32>, vector<16xf32>
    }
    %scan3A_55 = arith.constant 104 : i32
    %get3A_56 = arith.constant 96 : index
    %get3A_57 = tpu.vector_load %arg8[%get3A_56] {strides = array<i32>} : memref<128xi32, #tpu.memory_space<vmem>>, vector<16xi32>,
    %get3A_58 = vector.shape_cast %get3A_57 : vector<16xi32> to vector<16xi32>
    %scan3A_59 = arith.constant 0 : i32
    %scan3A_60 = arith.constant 104 : i32
    %scan3A_61 = arith.addi %scan3A_59, %scan3A_60 : i32
    %scan3A_62 = arith.constant 1 : i32
    %scan3A_63:7 = scf.for %scan3A_97 = %scan3A_59 to %scan3A_61 step %scan3A_62 iter_args(%scan3A_98 = %broadcast_in_dim3A_3, %scan3A_99 = %broadcast_in_dim3A_3, %scan3A_100 = %broadcast_in_dim3A_3, %scan3A_101 = %scan3A_54#3, %scan3A_102 = %scan3A_54#4, %scan3A_103 = %scan3A_54#5, %scan3A_104 = %scan3A_54#6) -> (vector<16xf32>, vector<16xf32>, vector<16xf32>, vector<16xf32>, vector<16xf32>, vector<16xf32>, vector<16xf32>)  : i32 {
      %mul3A_105 = arith.constant 16 : i32
      %mul3A_106 = arith.muli %scan3A_97, %mul3A_105 : i32
      %add3A_107 = arith.constant 9984 : i32
      %add3A_108 = arith.addi %add3A_107, %mul3A_106 : i32
      %get3A_109 = arith.index_cast %add3A_108 : i32 to index
      %get3A_110 = tpu.vector_load %arg7[%get3A_109] {strides = array<i32>} : memref<13312xf32, #tpu.memory_space<vmem>>, vector<16xf32>,
      %get3A_111 = vector.shape_cast %get3A_110 : vector<16xf32> to vector<16xf32>
      %gt3A = arith.constant 0.000000e+00 : f32
      %gt3A_112 = vector.broadcast %gt3A : f32 to vector<16xf32>
      %gt3A_113 = arith.cmpf ogt, %get3A_111, %gt3A_112 : vector<16xf32>
      %jit3A = arith.constant 1.000000e+00 : f32
      %jit3A_114 = arith.constant 0.000000e+00 : f32
      %broadcast_in_dim3A_115 = vector.broadcast %jit3A : f32 to vector<16xf32>
      %broadcast_in_dim3A_116 = vector.broadcast %jit3A_114 : f32 to vector<16xf32>
      %select_n3A = arith.select %gt3A_113, %broadcast_in_dim3A_115, %broadcast_in_dim3A_116 : vector<16xi1>, vector<16xf32>
      %lt3A = vector.broadcast %scan3A_97 : i32 to vector<16xi32>
      %lt3A_117 = arith.cmpi slt, %lt3A, %get3A_58 : vector<16xi32>
      %jit3A_118 = arith.constant 1.000000e+00 : f32
      %jit3A_119 = arith.constant 0.000000e+00 : f32
      %broadcast_in_dim3A_120 = vector.broadcast %jit3A_118 : f32 to vector<16xf32>
      %broadcast_in_dim3A_121 = vector.broadcast %jit3A_119 : f32 to vector<16xf32>
      %select_n3A_122 = arith.select %lt3A_117, %broadcast_in_dim3A_120, %broadcast_in_dim3A_121 : vector<16xi1>, vector<16xf32>
      %sub3A = arith.constant 1.000000e+00 : f32
      %sub3A_123 = vector.broadcast %sub3A : f32 to vector<16xf32>
      %sub3A_124 = arith.subf %sub3A_123, %scan3A_98 : vector<16xf32>
      %mul3A_125 = arith.mulf %sub3A_124, %select_n3A_122 : vector<16xf32>
      %mul3A_126 = arith.mulf %select_n3A, %mul3A_125 : vector<16xf32>
      %mul3A_127 = arith.mulf %mul3A_126, %scan3A_99 : vector<16xf32>
      %add3A_128 = arith.addf %scan3A_101, %mul3A_127 : vector<16xf32>
      %mul3A_129 = arith.mulf %mul3A_126, %scan3A_100 : vector<16xf32>
      %add3A_130 = arith.addf %scan3A_102, %mul3A_129 : vector<16xf32>
      %mul3A_131 = arith.mulf %mul3A_126, %get3A_111 : vector<16xf32>
      %add3A_132 = arith.addf %scan3A_103, %mul3A_131 : vector<16xf32>
      %add3A_133 = arith.addf %scan3A_104, %mul3A_126 : vector<16xf32>
      %add3A_134 = arith.addf %scan3A_98, %mul3A_126 : vector<16xf32>
      %sub3A_135 = arith.constant 1.000000e+00 : f32
      %sub3A_136 = vector.broadcast %sub3A_135 : f32 to vector<16xf32>
      %sub3A_137 = arith.subf %sub3A_136, %select_n3A : vector<16xf32>
      %mul3A_138 = arith.mulf %mul3A_125, %sub3A_137 : vector<16xf32>
      %mul3A_139 = arith.mulf %mul3A_138, %get3A_111 : vector<16xf32>
      %sub3A_140 = arith.subf %scan3A_99, %mul3A_139 : vector<16xf32>
      %add3A_141 = arith.addf %scan3A_100, %mul3A_138 : vector<16xf32>
      scf.yield %add3A_134, %sub3A_140, %add3A_141, %add3A_128, %add3A_130, %add3A_132, %add3A_133 : vector<16xf32>, vector<16xf32>, vector<16xf32>, vector<16xf32>, vector<16xf32>, vector<16xf32>, vector<16xf32>
    }
    %scan3A_64 = arith.constant 104 : i32
    %get3A_65 = arith.constant 112 : index
    %get3A_66 = tpu.vector_load %arg8[%get3A_65] {strides = array<i32>} : memref<128xi32, #tpu.memory_space<vmem>>, vector<16xi32>,
    %get3A_67 = vector.shape_cast %get3A_66 : vector<16xi32> to vector<16xi32>
    %scan3A_68 = arith.constant 0 : i32
    %scan3A_69 = arith.constant 104 : i32
    %scan3A_70 = arith.addi %scan3A_68, %scan3A_69 : i32
    %scan3A_71 = arith.constant 1 : i32
    %scan3A_72:7 = scf.for %scan3A_97 = %scan3A_68 to %scan3A_70 step %scan3A_71 iter_args(%scan3A_98 = %broadcast_in_dim3A_3, %scan3A_99 = %broadcast_in_dim3A_3, %scan3A_100 = %broadcast_in_dim3A_3, %scan3A_101 = %scan3A_63#3, %scan3A_102 = %scan3A_63#4, %scan3A_103 = %scan3A_63#5, %scan3A_104 = %scan3A_63#6) -> (vector<16xf32>, vector<16xf32>, vector<16xf32>, vector<16xf32>, vector<16xf32>, vector<16xf32>, vector<16xf32>)  : i32 {
      %mul3A_105 = arith.constant 16 : i32
      %mul3A_106 = arith.muli %scan3A_97, %mul3A_105 : i32
      %add3A_107 = arith.constant 11648 : i32
      %add3A_108 = arith.addi %add3A_107, %mul3A_106 : i32
      %get3A_109 = arith.index_cast %add3A_108 : i32 to index
      %get3A_110 = tpu.vector_load %arg7[%get3A_109] {strides = array<i32>} : memref<13312xf32, #tpu.memory_space<vmem>>, vector<16xf32>,
      %get3A_111 = vector.shape_cast %get3A_110 : vector<16xf32> to vector<16xf32>
      %gt3A = arith.constant 0.000000e+00 : f32
      %gt3A_112 = vector.broadcast %gt3A : f32 to vector<16xf32>
      %gt3A_113 = arith.cmpf ogt, %get3A_111, %gt3A_112 : vector<16xf32>
      %jit3A = arith.constant 1.000000e+00 : f32
      %jit3A_114 = arith.constant 0.000000e+00 : f32
      %broadcast_in_dim3A_115 = vector.broadcast %jit3A : f32 to vector<16xf32>
      %broadcast_in_dim3A_116 = vector.broadcast %jit3A_114 : f32 to vector<16xf32>
      %select_n3A = arith.select %gt3A_113, %broadcast_in_dim3A_115, %broadcast_in_dim3A_116 : vector<16xi1>, vector<16xf32>
      %lt3A = vector.broadcast %scan3A_97 : i32 to vector<16xi32>
      %lt3A_117 = arith.cmpi slt, %lt3A, %get3A_67 : vector<16xi32>
      %jit3A_118 = arith.constant 1.000000e+00 : f32
      %jit3A_119 = arith.constant 0.000000e+00 : f32
      %broadcast_in_dim3A_120 = vector.broadcast %jit3A_118 : f32 to vector<16xf32>
      %broadcast_in_dim3A_121 = vector.broadcast %jit3A_119 : f32 to vector<16xf32>
      %select_n3A_122 = arith.select %lt3A_117, %broadcast_in_dim3A_120, %broadcast_in_dim3A_121 : vector<16xi1>, vector<16xf32>
      %sub3A = arith.constant 1.000000e+00 : f32
      %sub3A_123 = vector.broadcast %sub3A : f32 to vector<16xf32>
      %sub3A_124 = arith.subf %sub3A_123, %scan3A_98 : vector<16xf32>
      %mul3A_125 = arith.mulf %sub3A_124, %select_n3A_122 : vector<16xf32>
      %mul3A_126 = arith.mulf %select_n3A, %mul3A_125 : vector<16xf32>
      %mul3A_127 = arith.mulf %mul3A_126, %scan3A_99 : vector<16xf32>
      %add3A_128 = arith.addf %scan3A_101, %mul3A_127 : vector<16xf32>
      %mul3A_129 = arith.mulf %mul3A_126, %scan3A_100 : vector<16xf32>
      %add3A_130 = arith.addf %scan3A_102, %mul3A_129 : vector<16xf32>
      %mul3A_131 = arith.mulf %mul3A_126, %get3A_111 : vector<16xf32>
      %add3A_132 = arith.addf %scan3A_103, %mul3A_131 : vector<16xf32>
      %add3A_133 = arith.addf %scan3A_104, %mul3A_126 : vector<16xf32>
      %add3A_134 = arith.addf %scan3A_98, %mul3A_126 : vector<16xf32>
      %sub3A_135 = arith.constant 1.000000e+00 : f32
      %sub3A_136 = vector.broadcast %sub3A_135 : f32 to vector<16xf32>
      %sub3A_137 = arith.subf %sub3A_136, %select_n3A : vector<16xf32>
      %mul3A_138 = arith.mulf %mul3A_125, %sub3A_137 : vector<16xf32>
      %mul3A_139 = arith.mulf %mul3A_138, %get3A_111 : vector<16xf32>
      %sub3A_140 = arith.subf %scan3A_99, %mul3A_139 : vector<16xf32>
      %add3A_141 = arith.addf %scan3A_100, %mul3A_138 : vector<16xf32>
      scf.yield %add3A_134, %sub3A_140, %add3A_141, %add3A_128, %add3A_130, %add3A_132, %add3A_133 : vector<16xf32>, vector<16xf32>, vector<16xf32>, vector<16xf32>, vector<16xf32>, vector<16xf32>, vector<16xf32>
    }
    %scan3A_73 = arith.constant 104 : i32
    %swap3A = arith.constant 0 : i32
    %swap3A_74 = arith.index_cast %swap3A : i32 to index
    %swap3A_75 = arith.constant 0 : index
    %swap3A_76 = tpu.vector_load %arg9[%swap3A_74, %swap3A_75] {strides = array<i32>} : memref<4x16xf32, #tpu.memory_space<vmem>>, vector<1x16xf32>,
    %swap3A_77 = vector.shape_cast %swap3A_76 : vector<1x16xf32> to vector<16xf32>
    %swap3A_78 = vector.shape_cast %scan3A_72#3 : vector<16xf32> to vector<1x16xf32>
    tpu.vector_store %arg9[%swap3A_74, %swap3A_75], %swap3A_78 {strides = array<i32>} : memref<4x16xf32, #tpu.memory_space<vmem>>, vector<1x16xf32>,
    %swap3A_79 = arith.constant 1 : i32
    %swap3A_80 = arith.index_cast %swap3A_79 : i32 to index
    %swap3A_81 = arith.constant 0 : index
    %swap3A_82 = tpu.vector_load %arg9[%swap3A_80, %swap3A_81] {strides = array<i32>} : memref<4x16xf32, #tpu.memory_space<vmem>>, vector<1x16xf32>,
    %swap3A_83 = vector.shape_cast %swap3A_82 : vector<1x16xf32> to vector<16xf32>
    %swap3A_84 = vector.shape_cast %scan3A_72#4 : vector<16xf32> to vector<1x16xf32>
    tpu.vector_store %arg9[%swap3A_80, %swap3A_81], %swap3A_84 {strides = array<i32>} : memref<4x16xf32, #tpu.memory_space<vmem>>, vector<1x16xf32>,
    %swap3A_85 = arith.constant 2 : i32
    %swap3A_86 = arith.index_cast %swap3A_85 : i32 to index
    %swap3A_87 = arith.constant 0 : index
    %swap3A_88 = tpu.vector_load %arg9[%swap3A_86, %swap3A_87] {strides = array<i32>} : memref<4x16xf32, #tpu.memory_space<vmem>>, vector<1x16xf32>,
    %swap3A_89 = vector.shape_cast %swap3A_88 : vector<1x16xf32> to vector<16xf32>
    %swap3A_90 = vector.shape_cast %scan3A_72#5 : vector<16xf32> to vector<1x16xf32>
    tpu.vector_store %arg9[%swap3A_86, %swap3A_87], %swap3A_90 {strides = array<i32>} : memref<4x16xf32, #tpu.memory_space<vmem>>, vector<1x16xf32>,
    %swap3A_91 = arith.constant 3 : i32
    %swap3A_92 = arith.index_cast %swap3A_91 : i32 to index
    %swap3A_93 = arith.constant 0 : index
    %swap3A_94 = tpu.vector_load %arg9[%swap3A_92, %swap3A_93] {strides = array<i32>} : memref<4x16xf32, #tpu.memory_space<vmem>>, vector<1x16xf32>,
    %swap3A_95 = vector.shape_cast %swap3A_94 : vector<1x16xf32> to vector<16xf32>
    %swap3A_96 = vector.shape_cast %scan3A_72#6 : vector<16xf32> to vector<1x16xf32>
    tpu.vector_store %arg9[%swap3A_92, %swap3A_93], %swap3A_96 {strides = array<i32>} : memref<4x16xf32, #tpu.memory_space<vmem>>, vector<1x16xf32>,
    "tpu.region"() ({
      %run_scoped3A = tpu.sem_alloc : memref<!tpu.dma_semaphore, #tpu.memory_space<semaphore_mem>>
      %dma_start3A_97 = arith.constant 0 : i32
      %dma_start3A_98 = arith.constant 0 : i32
      %dma_start3A_99 = tpu.memref_slice %arg5[%add3A, %dma_start3A_97, %dma_start3A_98] : memref<32x4x16xf32, #tpu.memory_space<hbm>> -> memref<1x4x16xf32, #tpu.memory_space<hbm>>
      %dma_start3A_100 = tpu.memref_squeeze %dma_start3A_99 : memref<1x4x16xf32, #tpu.memory_space<hbm>> -> memref<4x16xf32, #tpu.memory_space<hbm>>
      %dma_start3A_101 = arith.constant 0 : i32
      %dma_start3A_102 = arith.constant 0 : i32
      %dma_start3A_103 = tpu.memref_slice %arg5[%add3A, %dma_start3A_101, %dma_start3A_102] : memref<32x4x16xf32, #tpu.memory_space<hbm>> -> memref<1x4x16xf32, #tpu.memory_space<hbm>>
      %dma_start3A_104 = tpu.memref_squeeze %dma_start3A_103 : memref<1x4x16xf32, #tpu.memory_space<hbm>> -> memref<4x16xf32, #tpu.memory_space<hbm>>
      tpu.enqueue_dma source(%arg9 : memref<4x16xf32, #tpu.memory_space<vmem>>) target(%dma_start3A_104 : memref<4x16xf32, #tpu.memory_space<hbm>>) target_semaphore(%run_scoped3A : memref<!tpu.dma_semaphore, #tpu.memory_space<semaphore_mem>>)
      %dma_wait3A_105 = arith.constant 0 : i32
      %dma_wait3A_106 = arith.constant 0 : i32
      %dma_wait3A_107 = tpu.memref_slice %arg5[%add3A, %dma_wait3A_105, %dma_wait3A_106] : memref<32x4x16xf32, #tpu.memory_space<hbm>> -> memref<1x4x16xf32, #tpu.memory_space<hbm>>
      %dma_wait3A_108 = tpu.memref_squeeze %dma_wait3A_107 : memref<1x4x16xf32, #tpu.memory_space<hbm>> -> memref<4x16xf32, #tpu.memory_space<hbm>>
      %dma_wait3A_109 = arith.constant 0 : i32
      %dma_wait3A_110 = arith.constant 0 : i32
      %dma_wait3A_111 = tpu.memref_slice %arg5[%add3A, %dma_wait3A_109, %dma_wait3A_110] : memref<32x4x16xf32, #tpu.memory_space<hbm>> -> memref<1x4x16xf32, #tpu.memory_space<hbm>>
      %dma_wait3A_112 = tpu.memref_squeeze %dma_wait3A_111 : memref<1x4x16xf32, #tpu.memory_space<hbm>> -> memref<4x16xf32, #tpu.memory_space<hbm>>
      tpu.wait_dma2 semaphore(%run_scoped3A : memref<!tpu.dma_semaphore, #tpu.memory_space<semaphore_mem>>) src(%arg9 : memref<4x16xf32, #tpu.memory_space<vmem>>) dst(%dma_wait3A_112 : memref<4x16xf32, #tpu.memory_space<hbm>>)
      tpu.yield
    }) : () -> ()
    return
  }
}

module attributes {stable_mosaic.version = 14 : i64} {
  func.func @_table_kernel(%arg0: i32, %arg1: memref<1x160x1152xf32, #tpu.memory_space<vmem>>, %arg2: memref<1x160x64xi32, #tpu.memory_space<vmem>>, %arg3: memref<1x160x64xi32, #tpu.memory_space<vmem>>, %arg4: memref<1x160x64xf32, #tpu.memory_space<vmem>>) attributes {dimension_semantics = [#tpu.dimension_semantics<arbitrary>], iteration_bounds = array<i64: 125>, scalar_prefetch = 0 : i64, scratch_operands = 0 : i64, tpu.core_type = #tpu.core_type<tc>, window_params = [{transform_indices = @transform_0, window_bounds = array<i64: 1, 160, 1152>}, {transform_indices = @transform_1, window_bounds = array<i64: 1, 160, 64>}, {transform_indices = @transform_2, window_bounds = array<i64: 1, 160, 64>}, {transform_indices = @transform_3, window_bounds = array<i64: 1, 160, 64>}]} {
    %get3A = arith.constant 0 : index
    %get3A_0 = arith.constant 0 : index
    %get3A_1 = arith.constant 0 : index
    %get3A_2 = vector.load %arg1[%get3A, %get3A_0, %get3A_1] : memref<1x160x1152xf32, #tpu.memory_space<vmem>>, vector<1x160x1152xf32>
    %get3A_3 = vector.shape_cast %get3A_2 : vector<1x160x1152xf32> to vector<160x1152xf32>
    %get3A_4 = arith.constant 0 : index
    %get3A_5 = arith.constant 0 : index
    %get3A_6 = arith.constant 0 : index
    %get3A_7 = vector.load %arg2[%get3A_4, %get3A_5, %get3A_6] : memref<1x160x64xi32, #tpu.memory_space<vmem>>, vector<1x160x64xi32>
    %get3A_8 = vector.shape_cast %get3A_7 : vector<1x160x64xi32> to vector<160x64xi32>
    %get3A_9 = arith.constant 0 : index
    %get3A_10 = arith.constant 0 : index
    %get3A_11 = arith.constant 0 : index
    %get3A_12 = vector.load %arg3[%get3A_9, %get3A_10, %get3A_11] : memref<1x160x64xi32, #tpu.memory_space<vmem>>, vector<1x160x64xi32>
    %get3A_13 = vector.shape_cast %get3A_12 : vector<1x160x64xi32> to vector<160x64xi32>
    %iota3A = tpu.iota {dimensions = array<i32: 0>} : vector<1152x64xi32>
    %iota3A_14 = tpu.iota {dimensions = array<i32: 1>} : vector<1152x64xi32>
    %jit3A = arith.constant 18 : i32
    %div3A = vector.broadcast %jit3A : i32 to vector<1152x64xi32>
    %div3A_15 = arith.divsi %iota3A, %div3A : vector<1152x64xi32>
    %sign3A = arith.constant 0 : i32
    %sign3A_16 = vector.broadcast %sign3A : i32 to vector<1152x64xi32>
    %sign3A_17 = arith.cmpi sgt, %iota3A, %sign3A_16 : vector<1152x64xi32>
    %sign3A_18 = arith.extui %sign3A_17 : vector<1152x64xi1> to vector<1152x64xi32>
    %sign3A_19 = arith.constant 0 : i32
    %sign3A_20 = vector.broadcast %sign3A_19 : i32 to vector<1152x64xi32>
    %sign3A_21 = arith.cmpi slt, %iota3A, %sign3A_20 : vector<1152x64xi32>
    %sign3A_22 = arith.extui %sign3A_21 : vector<1152x64xi1> to vector<1152x64xi32>
    %sign3A_23 = arith.subi %sign3A_18, %sign3A_22 : vector<1152x64xi32>
    %sign3A_24 = arith.constant 0 : i32
    %sign3A_25 = arith.cmpi sgt, %jit3A, %sign3A_24 : i32
    %sign3A_26 = arith.extui %sign3A_25 : i1 to i32
    %sign3A_27 = arith.constant 0 : i32
    %sign3A_28 = arith.cmpi slt, %jit3A, %sign3A_27 : i32
    %sign3A_29 = arith.extui %sign3A_28 : i1 to i32
    %sign3A_30 = arith.subi %sign3A_26, %sign3A_29 : i32
    %ne3A = vector.broadcast %sign3A_30 : i32 to vector<1152x64xi32>
    %ne3A_31 = arith.cmpi ne, %sign3A_23, %ne3A : vector<1152x64xi32>
    %rem3A = vector.broadcast %jit3A : i32 to vector<1152x64xi32>
    %rem3A_32 = arith.remsi %iota3A, %rem3A : vector<1152x64xi32>
    %ne3A_33 = arith.constant 0 : i32
    %ne3A_34 = vector.broadcast %ne3A_33 : i32 to vector<1152x64xi32>
    %ne3A_35 = arith.cmpi ne, %rem3A_32, %ne3A_34 : vector<1152x64xi32>
    %and3A = arith.andi %ne3A_31, %ne3A_35 : vector<1152x64xi1>
    %sub3A = arith.constant 1 : i32
    %sub3A_36 = vector.broadcast %sub3A : i32 to vector<1152x64xi32>
    %sub3A_37 = arith.subi %div3A_15, %sub3A_36 : vector<1152x64xi32>
    %select_n3A = arith.select %and3A, %sub3A_37, %div3A_15 : vector<1152x64xi1>, vector<1152x64xi32>
    %eq3A = arith.cmpi eq, %select_n3A, %iota3A_14 : vector<1152x64xi32>
    %jit3A_38 = arith.constant 1.000000e+00 : f32
    %jit3A_39 = arith.constant 0.000000e+00 : f32
    %broadcast_in_dim3A = vector.broadcast %jit3A_38 : f32 to vector<1152x64xf32>
    %broadcast_in_dim3A_40 = vector.broadcast %jit3A_39 : f32 to vector<1152x64xf32>
    %select_n3A_41 = arith.select %eq3A, %broadcast_in_dim3A, %broadcast_in_dim3A_40 : vector<1152x64xi1>, vector<1152x64xf32>
    %jit3A_42 = arith.constant 18 : i32
    %eq3A_43 = arith.constant 0 : i32
    %eq3A_44 = arith.cmpi eq, %jit3A_42, %eq3A_43 : i32
    %jit3A_45 = arith.constant 1 : i32
    %select_n3A_46 = arith.select %eq3A_44, %jit3A_45, %jit3A_42 : i32
    %rem3A_47 = vector.broadcast %select_n3A_46 : i32 to vector<1152x64xi32>
    %rem3A_48 = arith.remsi %iota3A, %rem3A_47 : vector<1152x64xi32>
    %ne3A_49 = arith.constant 0 : i32
    %ne3A_50 = vector.broadcast %ne3A_49 : i32 to vector<1152x64xi32>
    %ne3A_51 = arith.cmpi ne, %rem3A_48, %ne3A_50 : vector<1152x64xi32>
    %lt3A = arith.constant 0 : i32
    %lt3A_52 = vector.broadcast %lt3A : i32 to vector<1152x64xi32>
    %lt3A_53 = arith.cmpi slt, %rem3A_48, %lt3A_52 : vector<1152x64xi32>
    %lt3A_54 = arith.constant 0 : i32
    %lt3A_55 = arith.cmpi slt, %select_n3A_46, %lt3A_54 : i32
    %ne3A_56 = vector.broadcast %lt3A_55 : i1 to vector<1152x64xi1>
    %ne3A_57 = vector.broadcast %ne3A_56 : vector<1152x64xi1> to vector<1152x64xi1>
    %ne3A_58 = arith.xori %lt3A_53, %ne3A_57 : vector<1152x64xi1>
    %and3A_59 = arith.andi %ne3A_58, %ne3A_51 : vector<1152x64xi1>
    %add3A = vector.broadcast %select_n3A_46 : i32 to vector<1152x64xi32>
    %add3A_60 = arith.addi %rem3A_48, %add3A : vector<1152x64xi32>
    %select_n3A_61 = arith.select %and3A_59, %add3A_60, %rem3A_48 : vector<1152x64xi1>, vector<1152x64xi32>
    %eq3A_62 = arith.constant 17 : i32
    %eq3A_63 = vector.broadcast %eq3A_62 : i32 to vector<1152x64xi32>
    %eq3A_64 = arith.cmpi eq, %select_n3A_61, %eq3A_63 : vector<1152x64xi32>
    %and3A_65 = arith.andi %eq3A, %eq3A_64 : vector<1152x64xi1>
    %jit3A_66 = arith.constant 1.000000e+00 : f32
    %jit3A_67 = arith.constant 0.000000e+00 : f32
    %broadcast_in_dim3A_68 = vector.broadcast %jit3A_66 : f32 to vector<1152x64xf32>
    %broadcast_in_dim3A_69 = vector.broadcast %jit3A_67 : f32 to vector<1152x64xf32>
    %select_n3A_70 = arith.select %and3A_65, %broadcast_in_dim3A_68, %broadcast_in_dim3A_69 : vector<1152x64xi1>, vector<1152x64xf32>
    %exp3A = math.exp %get3A_3 : vector<160x1152xf32>
    %dot_general3A = arith.constant dense<0.000000e+00> : vector<160x64xf32>
    %dot_general3A_71 = tpu.matmul %exp3A, %select_n3A_41, %dot_general3A {dimension_numbers = #tpu.dot_dimension_numbers<[1], [0], [0], [1], [0, 0, 1, 1], [], []>, transpose_lhs_hint = false} : vector<160x1152xf32>, vector<1152x64xf32>, vector<160x64xf32> -> vector<160x64xf32>
    %dot_general3A_72 = arith.constant dense<0.000000e+00> : vector<160x64xf32>
    %dot_general3A_73 = tpu.matmul %get3A_3, %select_n3A_70, %dot_general3A_72 {dimension_numbers = #tpu.dot_dimension_numbers<[1], [0], [0], [1], [0, 0, 1, 1], [], []>, transpose_lhs_hint = false} : vector<160x1152xf32>, vector<1152x64xf32>, vector<160x64xf32> -> vector<160x64xf32>
    %convert_element_type3A = arith.sitofp %get3A_8 : vector<160x64xi32> to vector<160x64xf32>
    %dot_general3A_74 = arith.constant dense<0.000000e+00> : vector<160x1152xf32>
    %dot_general3A_75 = tpu.matmul %convert_element_type3A, %select_n3A_41, %dot_general3A_74 {dimension_numbers = #tpu.dot_dimension_numbers<[1], [1], [0], [0], [0, 0, 1, 0], [], []>, transpose_lhs_hint = false} : vector<160x64xf32>, vector<1152x64xf32>, vector<160x1152xf32> -> vector<160x1152xf32>
    %iota3A_76 = tpu.iota {dimensions = array<i32: 1>} : vector<160x1152xi32>
    %jit3A_77 = arith.constant 18 : i32
    %eq3A_78 = arith.constant 0 : i32
    %eq3A_79 = arith.cmpi eq, %jit3A_77, %eq3A_78 : i32
    %jit3A_80 = arith.constant 1 : i32
    %select_n3A_81 = arith.select %eq3A_79, %jit3A_80, %jit3A_77 : i32
    %rem3A_82 = vector.broadcast %select_n3A_81 : i32 to vector<160x1152xi32>
    %rem3A_83 = arith.remsi %iota3A_76, %rem3A_82 : vector<160x1152xi32>
    %ne3A_84 = arith.constant 0 : i32
    %ne3A_85 = vector.broadcast %ne3A_84 : i32 to vector<160x1152xi32>
    %ne3A_86 = arith.cmpi ne, %rem3A_83, %ne3A_85 : vector<160x1152xi32>
    %lt3A_87 = arith.constant 0 : i32
    %lt3A_88 = vector.broadcast %lt3A_87 : i32 to vector<160x1152xi32>
    %lt3A_89 = arith.cmpi slt, %rem3A_83, %lt3A_88 : vector<160x1152xi32>
    %lt3A_90 = arith.constant 0 : i32
    %lt3A_91 = arith.cmpi slt, %select_n3A_81, %lt3A_90 : i32
    %ne3A_92 = vector.broadcast %lt3A_91 : i1 to vector<160x1152xi1>
    %ne3A_93 = vector.broadcast %ne3A_92 : vector<160x1152xi1> to vector<160x1152xi1>
    %ne3A_94 = arith.xori %lt3A_89, %ne3A_93 : vector<160x1152xi1>
    %and3A_95 = arith.andi %ne3A_94, %ne3A_86 : vector<160x1152xi1>
    %add3A_96 = vector.broadcast %select_n3A_81 : i32 to vector<160x1152xi32>
    %add3A_97 = arith.addi %rem3A_83, %add3A_96 : vector<160x1152xi32>
    %select_n3A_98 = arith.select %and3A_95, %add3A_97, %rem3A_83 : vector<160x1152xi1>, vector<160x1152xi32>
    %convert_element_type3A_99 = arith.sitofp %select_n3A_98 : vector<160x1152xi32> to vector<160x1152xf32>
    %eq3A_100 = arith.cmpf oeq, %convert_element_type3A_99, %dot_general3A_75 : vector<160x1152xf32>
    %jit3A_101 = arith.constant 0.000000e+00 : f32
    %broadcast_in_dim3A_102 = vector.broadcast %jit3A_101 : f32 to vector<160x1152xf32>
    %select_n3A_103 = arith.select %eq3A_100, %get3A_3, %broadcast_in_dim3A_102 : vector<160x1152xi1>, vector<160x1152xf32>
    %dot_general3A_104 = arith.constant dense<0.000000e+00> : vector<160x64xf32>
    %dot_general3A_105 = tpu.matmul %select_n3A_103, %select_n3A_41, %dot_general3A_104 {dimension_numbers = #tpu.dot_dimension_numbers<[1], [0], [0], [1], [0, 0, 1, 1], [], []>, transpose_lhs_hint = false} : vector<160x1152xf32>, vector<1152x64xf32>, vector<160x64xf32> -> vector<160x64xf32>
    %log3A = math.log %dot_general3A_71 : vector<160x64xf32>
    %sub3A_106 = arith.subf %dot_general3A_73, %log3A : vector<160x64xf32>
    %exp3A_107 = math.exp %sub3A_106 : vector<160x64xf32>
    %sub3A_108 = arith.constant 1.000000e+00 : f32
    %sub3A_109 = vector.broadcast %sub3A_108 : f32 to vector<160x64xf32>
    %sub3A_110 = arith.subf %sub3A_109, %exp3A_107 : vector<160x64xf32>
    %jit3A_111 = arith.constant 9.99999997E-7 : f32
    %jit3A_112 = arith.constant 0.999998986 : f32
    %max3A = vector.broadcast %jit3A_111 : f32 to vector<160x64xf32>
    %max3A_113 = arith.maximumf %max3A, %sub3A_110 : vector<160x64xf32>
    %min3A = vector.broadcast %jit3A_112 : f32 to vector<160x64xf32>
    %min3A_114 = arith.minimumf %min3A, %max3A_113 : vector<160x64xf32>
    %sub3A_115 = arith.constant 1.000000e+00 : f32
    %sub3A_116 = vector.broadcast %sub3A_115 : f32 to vector<160x64xf32>
    %sub3A_117 = arith.subf %sub3A_116, %min3A_114 : vector<160x64xf32>
    %log3A_118 = math.log %sub3A_117 : vector<160x64xf32>
    %neg3A = arith.constant 0.000000e+00 : f32
    %neg3A_119 = vector.broadcast %neg3A : f32 to vector<160x64xf32>
    %neg3A_120 = arith.subf %neg3A_119, %log3A_118 : vector<160x64xf32>
    %log3A_121 = math.log %min3A_114 : vector<160x64xf32>
    %neg3A_122 = arith.constant 0.000000e+00 : f32
    %neg3A_123 = vector.broadcast %neg3A_122 : f32 to vector<160x64xf32>
    %neg3A_124 = arith.subf %neg3A_123, %log3A_121 : vector<160x64xf32>
    %sub3A_125 = arith.subf %log3A, %dot_general3A_105 : vector<160x64xf32>
    %add3A_126 = arith.addf %neg3A_124, %sub3A_125 : vector<160x64xf32>
    %ne3A_127 = arith.constant 17 : i32
    %ne3A_128 = vector.broadcast %ne3A_127 : i32 to vector<160x64xi32>
    %ne3A_129 = arith.cmpi ne, %get3A_8, %ne3A_128 : vector<160x64xi32>
    %gt3A = arith.constant 0 : i32
    %gt3A_130 = vector.broadcast %gt3A : i32 to vector<160x64xi32>
    %gt3A_131 = arith.cmpi sgt, %get3A_13, %gt3A_130 : vector<160x64xi32>
    %and3A_132 = arith.andi %ne3A_129, %gt3A_131 : vector<160x64xi1>
    %max3A_133 = arith.constant 1.000000e-30 : f32
    %max3A_134 = vector.broadcast %max3A_133 : f32 to vector<160x64xf32>
    %max3A_135 = arith.maximumf %add3A_126, %max3A_134 : vector<160x64xf32>
    %max3A_136 = arith.constant 1.000000e-30 : f32
    %max3A_137 = vector.broadcast %max3A_136 : f32 to vector<160x64xf32>
    %max3A_138 = arith.maximumf %neg3A_120, %max3A_137 : vector<160x64xf32>
    %neg3A_139 = arith.constant 0.000000e+00 : f32
    %neg3A_140 = vector.broadcast %neg3A_139 : f32 to vector<160x64xf32>
    %neg3A_141 = arith.subf %neg3A_140, %max3A_138 : vector<160x64xf32>
    %select_n3A_142 = arith.select %and3A_132, %max3A_135, %neg3A_141 : vector<160x64xi1>, vector<160x64xf32>
    %swap3A = arith.constant 0 : index
    %swap3A_143 = arith.constant 0 : index
    %swap3A_144 = arith.constant 0 : index
    %swap3A_145 = vector.load %arg4[%swap3A, %swap3A_143, %swap3A_144] : memref<1x160x64xf32, #tpu.memory_space<vmem>>, vector<1x160x64xf32>
    %swap3A_146 = vector.shape_cast %swap3A_145 : vector<1x160x64xf32> to vector<160x64xf32>
    %swap3A_147 = vector.shape_cast %select_n3A_142 : vector<160x64xf32> to vector<1x160x64xf32>
    tpu.vector_store %arg4[%swap3A, %swap3A_143, %swap3A_144], %swap3A_147 {strides = array<i32>} : memref<1x160x64xf32, #tpu.memory_space<vmem>>, vector<1x160x64xf32>,
    return
  }
  func.func @transform_0(%arg0: i32) -> (i32, i32, i32) {
    %c0_i32 = arith.constant 0 : i32
    %c0_i32_0 = arith.constant 0 : i32
    %c0_i32_1 = arith.constant 0 : i32
    return %arg0, %c0_i32, %c0_i32_0 : i32, i32, i32
  }
  func.func @transform_1(%arg0: i32) -> (i32, i32, i32) {
    %c0_i32 = arith.constant 0 : i32
    %c0_i32_0 = arith.constant 0 : i32
    %c0_i32_1 = arith.constant 0 : i32
    return %arg0, %c0_i32, %c0_i32_0 : i32, i32, i32
  }
  func.func @transform_2(%arg0: i32) -> (i32, i32, i32) {
    %c0_i32 = arith.constant 0 : i32
    %c0_i32_0 = arith.constant 0 : i32
    %c0_i32_1 = arith.constant 0 : i32
    return %arg0, %c0_i32, %c0_i32_0 : i32, i32, i32
  }
  func.func @transform_3(%arg0: i32) -> (i32, i32, i32) {
    %c0_i32 = arith.constant 0 : i32
    %c0_i32_0 = arith.constant 0 : i32
    %c0_i32_1 = arith.constant 0 : i32
    return %arg0, %c0_i32, %c0_i32_0 : i32, i32, i32
  }
}

</mosaic_0001>

<sc_bundles>
// kernel: kernel.4.cloned.1.call-start
scs
__scs_entry_jumppad:
0x0: {  	(pc) =	sbr.rel $0x88, $3  }
0x1: {  	(tag) =	ssettag $0x0;
	lr =	simm.s32 $0x1  }
0x2: {  	[smem:$0x3F9E] =	sst lr;
	_ =	strace $0xD0000000  }
0x3: {  	_ = 	snop  }
0x4: {  	_ = 	snop  }
0x5: {  	_ = 	snop  }
0x6: {  	_ = 	snop  }
0x7: {  	_ = 	snop  }
__scs_overlays_trampoline_lowered:
0x8: {  	[smem:$0x3FAD] =	sst s0  }
0x9: {  	[smem:$0x3FAE] =	sst s1  }
0xa: {  	[smem:$0x3FAF] =	sst s2  }
0xb: {  	[smem:$0x3FB0] =	sst s3  }
0xc: {  	[smem:$0x3FB1] =	sst s4  }
0xd: {  	[smem:$0x3FB2] =	sst s5  }
0xe: {  	[smem:$0x3FB3] =	sst s6  }
0xf: {  	[smem:$0x3FB4] =	sst s7  }
0x10: {  	[smem:$0x3FB5] =	sst s8  }
0x11: {  	[smem:$0x3FB6] =	sst s9;
	s0 =	simm.s32 @!p0 $0x0  }
0x12: {  	s1 =	sld [smem:$0x3F9C];
	s0 =	simm.s32 @p0 $0x1  }
0x13: {  	[smem:$0x3FB7] =	sst s0;
	s0 =	simm.s32 @!p1 $0x0  }
0x14: {  	s2 =	sld [smem:$0x3F9B];
	s0 =	simm.s32 @p1 $0x1  }
0x15: {  	[smem:$0x3FB8] =	sst s0;
	s0 =	simm.s32 @!p2 $0x0  }
0x16: {  	s3 =	sld [smem:$0x3FDB];
	s0 =	simm.s32 @p2 $0x1  }
0x17: {  	s4 =	simm.s32 $0x1BF5;
	[smem:$0x3FBA] =	sst s0  }
0x18: {  	s0 =	sld [smem:$0x3F9D];
	_ =	swait.ge [sflag:s4], $0x0  }
0x19: {  	s7 =	sld [smem:$0x3F9E]  }
0x1a: {  	s8 =	sadd.s32 $0xFFFFE003, lr  }
0x1b: {  	s9 =	sadd.s32 $0xFFFFFEF7, lr;
	s5 =	simm.s32 $0xFFFFFFFF;
	p2 =	slt.u32 s8, $0xFFFFF086  }
0x1c: {  	p1 =	slt.u32 s9, $0xF7A;
	s5 =	simm.s32 @!p2 $0x0  }
0x1d: {  	s5 =	simm.s32 @p1 $0x1;
	p0 =	seq.s32 s7, s2  }
0x1e: {  	s7 =	smul.u32 @!p0 $0xF7A, s2;
	p2 =	seq.s32 @!p0 s5, $0x0  }
0x1f: {  	s9 =	smul.u32 $0xF7A, s1;
	s8 =	simm.s32 @!p0 $0x1BF5;
	p2 =	por !p2, p0  }
0x20: {  	[sflag:s8] =	ssyncset.s32 @!p0 $0xFFFFF086;
	s6 =	sadd.s32 @!p0 s3, s7;
	s7 =	simm.s32 @!p0 $0x108  }
0x21: {  	s3 =	sadd.s32 s3, s9;
	s6 =	sadd.s32 @!p0 $0x88, s6;
	s7 =	simm.s32 @p2 $0x1082  }
0x22: {  	[simem:s7], [sflag:s8] =	dma.local @!p0 [hbm:s6], $0xF7A  }
0x23: {  	s9 =	sor.u32 $0xD0000000, s2;
	s6 =	simm.s32 $0x108;
	_ =	swait.ge @!p0 [sflag:s8], $0x0  }
0x24: {  	s3 =	sadd.s32 $0x88, s3;
	s6 =	simm.s32 @!p1 $0x1082;
	[sflag:s4] =	ssyncset.s32 $0xFFFFF086  }
0x25: {  	[simem:s6], [sflag:s4] =	dma.local [hbm:s3], $0xF7A  }
0x26: {  	[smem:$0x3F9E] =	sst s1;
	(tag) =	ssettag s2;
	_ =	strace s9  }
0x27: {  	s1 =	sld [smem:$0x3FAE]  }
0x28: {  	s2 =	sld [smem:$0x3FAF]  }
0x29: {  	s4 =	sld [smem:$0x3FB1]  }
0x2a: {  	p0 =	seq.s32 s5, $0x0;
	s5 =	sld [smem:$0x3FB2]  }
0x2b: {  	s6 =	sld [smem:$0x3FB3]  }
0x2c: {  	s7 =	sld [smem:$0x3FB4]  }
0x2d: {  	s3 =	simm.s32 $0x108;
	s8 =	sld [smem:$0x3FB5]  }
0x2e: {  	s3 =	simm.s32 @!p0 $0x1082;
	s9 =	sld [smem:$0x3FB6]  }
0x2f: {  	lr =	sadd.s32 s0, s3;
	s0 =	sld [smem:$0x3FAD]  }
0x30: {  	s3 =	sld [smem:$0x3FB0]  }
0x31: {  	[smem:$0x3FB9] =	sst s10  }
0x32: {  	s10 =	sld [smem:$0x3FB7];
	_ =	sdelay $0x3  }
0x33: {  	p0 =	seq.s32 s10, $0x1;
	s10 =	sld [smem:$0x3FB9];
	_ =	sdelay $0x3  }
0x34: {  	[smem:$0x3FB9] =	sst s10  }
0x35: {  	s10 =	sld [smem:$0x3FB8];
	_ =	sdelay $0x3  }
0x36: {  	p1 =	seq.s32 s10, $0x1;
	s10 =	sld [smem:$0x3FB9];
	_ =	sdelay $0x3  }
0x37: {  	[smem:$0x3FB9] =	sst s10  }
0x38: {  	s10 =	sld [smem:$0x3FBA]  }
0x39: {  	_ = 	snop;
	(pc) =	sbr.ind lr, $3  }
0x3a: {  	_ = 	snop  }
0x3b: {  	_ = 	snop  }
0x3c: {  	p2 =	seq.s32 s10, $0x1;
	s10 =	sld [smem:$0x3FB9]  }
0x3d: {  	_ =	shalt  }
0x3e: {  	_ =	shalt  }
0x3f: {  	_ =	shalt  }
0x40: {  	_ =	shalt  }
0x41: {  	_ =	shalt  }
0x42: {  	_ =	shalt  }
0x43: {  	_ =	shalt  }
0x44: {  	_ =	shalt  }
0x45: {  	_ =	shalt  }
0x46: {  	_ =	shalt  }
0x47: {  	_ =	shalt  }
0x48: {  	_ =	shalt  }
0x49: {  	_ =	shalt  }
0x4a: {  	_ =	shalt  }
0x4b: {  	_ =	shalt  }
0x4c: {  	_ =	shalt  }
0x4d: {  	_ =	shalt  }
0x4e: {  	_ =	shalt  }
0x4f: {  	_ =	shalt  }
0x50: {  	_ =	shalt  }
0x51: {  	_ =	shalt  }
0x52: {  	_ =	shalt  }
0x53: {  	_ =	shalt  }
0x54: {  	_ =	shalt  }
0x55: {  	_ =	shalt  }
0x56: {  	_ =	shalt  }
0x57: {  	_ =	shalt  }
0x58: {  	_ =	shalt  }
0x59: {  	_ =	shalt  }
0x5a: {  	_ =	shalt  }
0x5b: {  	_ =	shalt  }
0x5c: {  	_ =	shalt  }
0x5d: {  	_ =	shalt  }
0x5e: {  	_ =	shalt  }
0x5f: {  	_ =	shalt  }
0x60: {  	_ =	shalt  }
0x61: {  	_ =	shalt  }
0x62: {  	_ =	shalt  }
0x63: {  	_ =	shalt  }
0x64: {  	_ =	shalt  }
0x65: {  	_ =	shalt  }
0x66: {  	_ =	shalt  }
0x67: {  	_ =	shalt  }
0x68: {  	_ =	shalt  }
0x69: {  	_ =	shalt  }
0x6a: {  	_ =	shalt  }
0x6b: {  	_ =	shalt  }
0x6c: {  	_ =	shalt  }
0x6d: {  	_ =	shalt  }
0x6e: {  	_ =	shalt  }
0x6f: {  	_ =	shalt  }
0x70: {  	_ =	shalt  }
0x71: {  	_ =	shalt  }
0x72: {  	_ =	shalt  }
0x73: {  	_ =	shalt  }
0x74: {  	_ =	shalt  }
0x75: {  	_ =	shalt  }
0x76: {  	_ =	shalt  }
0x77: {  	_ =	shalt  }
0x78: {  	_ =	shalt  }
0x79: {  	_ =	shalt  }
0x7a: {  	_ =	shalt  }
0x7b: {  	_ =	shalt  }
0x7c: {  	_ =	shalt  }
0x7d: {  	_ =	shalt  }
0x7e: {  	_ =	shalt  }
0x7f: {  	_ =	shalt  }
0x80: {  	_ =	shalt  }
0x81: {  	_ =	shalt  }
0x82: {  	_ =	shalt  }
0x83: {  	_ =	shalt  }
0x84: {  	_ =	shalt  }
0x85: {  	_ =	shalt  }
0x86: {  	_ =	shalt  }
0x87: {  	_ =	shalt  }
.Lfunc_end0:
.L_simem_size_0:
called_computation_lowered:
.L_overlay_start_0:
0x88: {  	s2 =	sld [smem:$0x3FD9]  }
0x89: {  	s3 =	sld [smem:$0x3FFE];
	_ =	sdelay $0x1  }
0x8a: {  	s1 =	srdreg.scid  }
0x8b: {  	s0 =	sand.u32 $0x1, s1  }
0x8c: {  	s16 =	sshll.u32 s0, $0xA;
	s2 =	sadd.s32 s3, s2  }
0x8d: {  	s2 =	sadd.s32 s2, s16  }
0x8e: {  	[smem:$0x3FC5] =	sst s2  }
0x8f: {  	_ = 	snop  }
0x90: {  	(tm) =	ssettm $0x1  }
0x91: {  	s17 =	sld [smem:$0x3FFB];
	_ =	sdelay $0x3  }
0x92: {  	_ =	strace s17  }
0x93: {  	s2 =	sld [smem:$0x3FFC];
	_ =	sdelay $0x3  }
0x94: {  	_ =	strace s2  }
0x95: {  	s2 =	sld [smem:$0x3FFD];
	_ =	sdelay $0x3  }
0x96: {  	_ =	strace s2  }
0x97: {  	_ =	strace $0x8FFFFFFF  }
0x98: {  	s18 =	sld [smem:$0x3FDB];
	_ =	sdelay $0x1  }
0x99: {  	s19 =	simm.s32 $_scs_section_size  }
0x9a: {  	s4 =	simm.s32 $_size__tile_overlayer_lowered;
	s5 =	simm.s32 $_tile_overlayer_lowered  }
0x9b: {  	s22 =	simm.s32 $0x1BFF;
	s21 =	sshll.u32 s5, $0x1;
	s2 =	sadd.s32 s19, s18  }
0x9c: {  	s6 =	simm.s32 $0x0;
	s20 =	sshll.u32 s4, $0x1;
	s4 =	sadd.s32 s21, s2  }
0x9d: {  	[timem:s6], [sflag:s22] =	dma.local [hbm:s4], s20  }
0x9e: {  	_ =	swait.ge [sflag:s22], s20  }
0x9f: {  	s3 =	ssub.s32 $0x0, s20;
	[sflag:s22] =	ssyncset.done $0x0  }
0xa0: {  	[sflag:s22] =	ssyncadd.s32 s3;
	_ =	sdelay $0x1  }
0xa1: {  	s23 =	simm.s32 $0x1B8B  }
0xa2: {  	_ =	swait.ge [sflag:s23], $0x1  }
0xa3: {  	[sflag:s23] =	ssyncset.done $0x0  }
0xa4: {  	s25 =	simm.s32 $0x1B8E;
	s24 =	sld [smem:$0x3FFE];
	[sflag:s23] =	ssyncadd.s32 $0xFFFFFFFF  }
0xa5: {  	s26 =	simm.s32 $execute0_lowered;
	[smem:$0x3FD2] =	sst s25  }
0xa6: {  	s4 =	sshll.u32 s26, $0x1;
	_ =	strace $0x80000046;
	[dreg:$0x1] =	wrdreg $0xFFFFFFFF  }
0xa7: {  	s28 =	simm.s32 $_size_execute0_lowered;
	s2 =	sadd.s32 s2, s4;
	[dreg:$0x0] =	wrdreg $0x0  }
0xa8: {  	s4 =	sshll.u32 s28, $0x1;
	[dreg:$0x2] =	wrdreg s2  }
0xa9: {  	[dreg:$0x3] =	wrdreg s4  }
0xaa: {  	[dreg:$0x4] =	wrdreg $0xC0  }
0xab: {  	_ =	task [dreg:s6], $0x5FFFF  }
0xac: {  	[dreg:$0x1] =	wrdreg $0xFFFFFFFF  }
0xad: {  	[dreg:$0x0] =	wrdreg $0x60  }
0xae: {  	[dreg:$0x2] =	wrdreg s24  }
0xaf: {  	[dreg:$0x3] =	wrdreg $0x9  }
0xb0: {  	_ =	task.clear_ibuf [dreg:s6], $0x4FFFF;
	_ =	strace $0x90000046  }
0xb1: {  	s29 =	simm.s32 $0x9;
	_ =	strace $0x80000048  }
0xb2: {  	_ =	swait.ge [sflag:s29], $0x1  }
0xb3: {  	[sflag:s29] =	ssyncadd.s32 $0xFFFFFFFF  }
0xb4: {  	_ =	strace $0x90000048  }
0xb5: {  	_ =	sfence  }
0xb6: {  	s30 =	sld [smem:$0x0];
	_ =	sdelay $0x2  }
0xb7: {  	s31 =	sshll.u32 s1, $0xD;
	s1 =	sshrl.u32 s1, $0x2  }
0xb8: {  	s3 =	sand.u32 $0x4000, s31;
	s1 =	sadd.s32 s1, s30  }
0xb9: {  	s0 =	sor.u32 s3, s0;
	s1 =	sshll.u32 s1, $0x11  }
0xba: {  	s0 =	sor.u32 s1, s0  }
0xbb: {  	s0 =	sadd.s32 $0x8F2B, s0  }
0xbc: {  	[sflag:s0] =	ssyncadd.remote.s32 $0x1  }
0xbd: {  	_ =	sfence.sel $0xFFFF  }
0xbe: {  	[dreg:$0x0] =	wrdreg $0xFFFFFFFF;
	(pc) =	sbr.abs _section_cstart, $3  }
0xbf: {  	[dreg:$0x1] =	wrdreg $0xFFFFFFFF  }
0xc0: {  	_ =	task.clear_ibuf [dreg:s6], $0x2FFFF;
	_ =	strace $0x9FFFFFFF  }
0xc1: {  	(tm) =	ssettm $0x7FFFFFFF  }
tec
execute0_lowered:
.L_overlay_start_1:
0x0: {  	(tag) =	ssettag $0x1  }
0x1: {  	s1 =	srdreg.scid;
	s0 =	stileid.u32  }
0x2: {  	s6 =	rddreg [dreg:$0x0];
	s2 =	simm.s32 $0x0;
	s10 =	simm.s32 $0x2  }
0x3: {  	s11 =	simm.s32 $0x6800;
	s12 =	simm.s32 $0x1;
	s13 =	simm.s32 $0x6880  }
0x4: {  	s14 =	simm.s32 $0x0;
	s4 =	sand.u32 $0x1, s1;
	s1 =	rddreg [dreg:$0x1]  }
0x5: {  	s29 =	sshll.u32 s0, $0x1;
	s3 =	sshrl.u32 s0, $0x2;
	[smem:$0x7FF] =	sst s2  }
0x6: {  	s5 =	sor.u32 s4, s29;
	s7 =	smul.u32 $0x1A000, s3;
	_ =	strace $0x80000047  }
0x7: {  	s9 =	sshll.u32 s3, $0xA;
	s3 =	sadd.s32 $0x1000, s6;
	s8 =	sshll.u32 s5, $0x7  }
0x8: {  	s4 =	ssub.s32 $0x2, s4;
	s5 =	sshll.u32 s5, $0x6;
	s8 =	sand.u32 $0x380, s8  }
0x9: {  	s30 =	sshrl.u32 s4, $0x1;
	s7 =	sor.u32 s7, s8;
	s8 =	sor.u32 s9, s8  }
0xa: {  	s31 =	ssub.s32 s4, s30;
	s7 =	sshrl.u32 s7, $0x3;
	s8 =	sshrl.u32 s8, $0x3  }
0xb: {  	s9 =	simm.s32 $0x400;
	s7 =	sadd.s32 s7, s6;
	s8 =	sadd.s32 s8, s6  }
0xc: {  	s6 =	sadd.s32 s5, s6;
	s4 =	sadd.s32 $0x28200, s7;
	s5 =	sadd.s32 $0x35200, s8  }
0xd: {  	v0 =	vimm.f32 $0.0e+00;
	s6 =	sadd.s32 $0x35400, s6;
	s7 =	smax.u32 s31, $0x1;
	s8 =	simm.s32 $0x80  }
.LBB2_1:
0xe: {  	[tilespmem:s2], [sflag:$0x2] =	stream.strided.gather [hbm4b:s4+s8], $0x3400, s9, s8, $0x38;
	[tilespmem:$0x6A80] =	vst v63  }
0xf: {  	_ =	swait.ge [sflag:s10], $0x3400  }
0x10: {  	[sflag:s10] =	ssyncset.done $0x0  }
0x11: {  	[sflag:s10] =	ssyncadd.s32 $0xFFFFCC00  }
0x12: {  	[tilespmem:s11], [sflag:$0x2] =	stream.linear.gather [hbm4b:s5+s2], $0x80, $0x38;
	[tilespmem:$0x6A80] =	vst v63  }
0x13: {  	_ =	swait.ge [sflag:s10], $0x80  }
0x14: {  	[sflag:s10] =	ssyncset.done $0x0  }
0x15: {  	s15 =	simm.s32 $0x3400;
	[sflag:s10] =	ssyncadd.s32 $0xFFFFFF80  }
0x16: {  	[tilespmem:s15], [sflag:$0x1] =	stream.indirect.gather [hbm4b:s3+s15], $0x1, s2, s15, $0xb8;
	[tilespmem:$0x6A80] =	vst v63  }
0x17: {  	_ =	swait.ge [sflag:s12], $0x3400  }
0x18: {  	[sflag:s12] =	ssyncset.done $0x0  }
0x19: {  	[sflag:s12] =	ssyncadd.s32 $0xFFFFCC00  }
0x1a: {  	v1 =	vld [tilespmem:$0x6800]  }
0x1b: {  	v2 =	vld [tilespmem:s15+$0x0];
	_ =	sdelay $0x3  }
0x1c: {  	v3 =	vmov s2  }
0x1d: {  	vm0 =	vlt.s32 v3, v1;
	v3 =	vsub.f32 $1.000000000e+00, v0;
	vm14 =	vgt.f32 v2, $0.0e+00  }
0x1e: {  	v4 =	vsel vm0, $0x3F800000, v0;
	v5 =	vsel vm14, $0x3F800000, v0  }
0x1f: {  	v3 =	vmul.f32 v4, v3;
	v6 =	vsub.f32 $1.000000000e+00, v5;
	_ =	sdelay $0x1  }
0x20: {  	v4 =	vmul.f32 v5, v3;
	v6 =	vmul.f32 v6, v3  }
0x21: {  	s15 =	simm.s32 $0x3410  }
0x22: {  	v10 =	vmul.f32 v4, v2;
	v14 =	vmul.f32 v6, v2;
	v2 =	vadd.f32 v6, v0;
	v6 =	vld [tilespmem:s15+$0x0]  }
0x23: {  	s31 =	simm.s32 $0x1;
	v9 =	vimm.f32 $0.0e+00;
	v5 =	vadd.f32 v4, v0  }
0x24: {  	v11 =	vimm.f32 $0.0e+00;
	v3 =	vmov s31;
	v12 =	vmul.f32 v4, v0  }
0x25: {  	v7 =	vimm.f32 $0.0e+00;
	vm15 =	vlt.s32 v3, v1;
	v13 =	vsub.f32 $1.000000000e+00, v5  }
0x26: {  	s16 =	simm.s32 $0x2;
	s17 =	simm.s32 $0x3;
	v8 =	vimm.f32 $0.0e+00;
	v15 =	vsel vm15, $0x3F800000, v0;
	v3 =	vadd.f32 v12, v0  }
.LBB2_2:
0x27: {  	p0 =	sne.s32 s17, $0x67;
	vm0 =	vgt.f32 v6, $0.0e+00;
	v13 =	vmul.f32 v15, v13;
	v9 =	vsub.f32 v9, v14;
	v14 =	vmovc v6  }
0x28: {  	v11 =	vadd.f32 v12, v11;
	v7 =	vadd.f32 v10, v7;
	v6 =	vsel vm0, $0x3F800000, v0  }
0x29: {  	s15 =	sadd.s32 $0x10, s15;
	v8 =	vadd.f32 v4, v8;
	v10 =	vsub.f32 $1.000000000e+00, v6;
	v4 =	vmul.f32 v6, v13  }
.Ltmp0:
0x2a: {  	v6 =	vld [tilespmem:s15+$0x0];
	(pc) =	sbr.rel @p0 .LBB2_2-.Ltmp0, $4  }
0x2b: {  	v16 =	vmul.f32 v4, v9;
	v5 =	vadd.f32 v4, v5;
	v17 =	vmul.f32 v10, v13  }
0x2c: {  	v13 =	vmov s16;
	v12 =	vmul.f32 v4, v2;
	v10 =	vmul.f32 v4, v14;
	s16 =	smov.u32 s17  }
0x2d: {  	vm0 =	vlt.s32 v13, v1;
	v13 =	vsub.f32 $1.000000000e+00, v5;
	v14 =	vmul.f32 v17, v14  }
0x2e: {  	s17 =	sadd.s32 $0x1, s17;
	v15 =	vsel vm0, $0x3F800000, v0;
	v3 =	vadd.f32 v16, v3;
	v2 =	vadd.f32 v17, v2  }
0x2f: {  	vm0 =	vgt.f32 v6, $0.0e+00;
	v13 =	vmul.f32 v15, v13  }
0x30: {  	v9 =	vsub.f32 v9, v14;
	v14 =	vsel vm0, $0x3F800000, v0  }
0x31: {  	v11 =	vadd.f32 v12, v11;
	v12 =	vmul.f32 v14, v13  }
0x32: {  	s15 =	sadd.s32 $0x10, s15;
	v7 =	vadd.f32 v10, v7;
	v14 =	vsub.f32 $1.000000000e+00, v14  }
0x33: {  	v4 =	vadd.f32 v4, v8;
	v8 =	vld [tilespmem:s15+$0x0];
	v5 =	vadd.f32 v12, v5  }
0x34: {  	v10 =	vmul.f32 v14, v13;
	v13 =	vmov s16;
	v14 =	vmul.f32 v12, v9  }
0x35: {  	s29 =	simm.s32 $0x0;
	v15 =	vmul.f32 v12, v2;
	vm0 =	vlt.s32 v13, v1;
	v1 =	vld [tilespmem:$0x6810];
	v13 =	vmul.f32 v12, v6  }
0x36: {  	s30 =	sand.u32 $0x7F0, s29;
	v12 =	vadd.f32 v12, v4;
	v5 =	vsub.f32 $1.000000000e+00, v5;
	v6 =	vmul.f32 v10, v6  }
0x37: {  	v17 =	vld [tilespmem:s30+$0x3A80];
	v16 =	vsel vm0, $0x3F800000, v0;
	v3 =	vadd.f32 v14, v3;
	v10 =	vadd.f32 v10, v2  }
0x38: {  	vm0 =	vgt.f32 v8, $0.0e+00;
	v2 =	vimm.f32 $0.0e+00;
	v5 =	vmul.f32 v16, v5  }
0x39: {  	v14 =	vmov s29;
	v6 =	vsub.f32 v9, v6;
	v9 =	vsel vm0, $0x3F800000, v0  }
0x3a: {  	v5 =	vmul.f32 v9, v5;
	vm0 =	vlt.s32 v14, v1;
	v9 =	vsub.f32 $1.000000000e+00, v2  }
0x3b: {  	v11 =	vadd.f32 v15, v11;
	v13 =	vadd.f32 v13, v7;
	v7 =	vsel vm0, $0x3F800000, v0  }
0x3c: {  	vm0 =	vgt.f32 v17, $0.0e+00;
	v6 =	vmul.f32 v5, v6;
	v9 =	vmul.f32 v7, v9  }
0x3d: {  	v4 =	vmul.f32 v5, v10;
	v10 =	vsel vm0, $0x3F800000, v0;
	v14 =	vmul.f32 v5, v8  }
0x3e: {  	v8 =	vadd.f32 v6, v3;
	v3 =	vmul.f32 v10, v9;
	v10 =	vsub.f32 $1.000000000e+00, v10  }
0x3f: {  	s31 =	simm.s32 $0x1;
	s16 =	simm.s32 $0x10;
	v7 =	vadd.f32 v4, v11  }
0x40: {  	s17 =	sand.u32 $0x7F0, s16;
	v4 =	vadd.f32 v14, v13;
	v14 =	vmul.f32 v10, v9;
	v9 =	vmov s31  }
0x41: {  	vm0 =	vlt.s32 v9, v1;
	v9 =	vld [tilespmem:s17+$0x3A80]  }
0x42: {  	v13 =	vmul.f32 v3, v2;
	v6 =	vadd.f32 v3, v2  }
0x43: {  	v5 =	vadd.f32 v5, v12;
	v12 =	vmul.f32 v3, v2;
	v11 =	vmul.f32 v3, v17  }
0x44: {  	s15 =	simm.s32 $0x2;
	v10 =	vimm.f32 $0.0e+00;
	s17 =	simm.s32 $0x3;
	v16 =	vsub.f32 $1.000000000e+00, v6;
	v15 =	vmul.f32 v14, v17  }
.LBB2_4:
0x45: {  	p0 =	sne.s32 s17, $0x67;
	v17 =	vsel vm0, $0x3F800000, v0;
	v8 =	vadd.f32 v13, v8;
	v2 =	vadd.f32 v14, v2  }
0x46: {  	vm0 =	vgt.f32 v9, $0.0e+00;
	v14 =	vmul.f32 v17, v16;
	v10 =	vsub.f32 v10, v15;
	v15 =	vmovc v9  }
0x47: {  	s16 =	sadd.s32 $0x10, s16;
	v7 =	vadd.f32 v12, v7;
	v4 =	vadd.f32 v11, v4;
	v9 =	vsel vm0, $0x3F800000, v0  }
.Ltmp1:
0x48: {  	v5 =	vadd.f32 v3, v5;
	s18 =	sand.u32 $0x7F0, s16;
	v11 =	vsub.f32 $1.000000000e+00, v9;
	v3 =	vmul.f32 v9, v14;
	(pc) =	sbr.rel @p0 .LBB2_4-.Ltmp1, $4  }
0x49: {  	v9 =	vld [tilespmem:s18+$0x3A80]  }
0x4a: {  	v13 =	vmul.f32 v3, v10;
	v6 =	vadd.f32 v3, v6;
	v14 =	vmul.f32 v11, v14  }
0x4b: {  	v16 =	vmov s15;
	s15 =	smov.u32 s17;
	v12 =	vmul.f32 v3, v2;
	v11 =	vmul.f32 v3, v15  }
0x4c: {  	s17 =	sadd.s32 $0x1, s17;
	vm0 =	vlt.s32 v16, v1;
	v16 =	vsub.f32 $1.000000000e+00, v6;
	v15 =	vmul.f32 v14, v15  }
0x4d: {  	v17 =	vsel vm0, $0x3F800000, v0  }
0x4e: {  	v8 =	vadd.f32 v13, v8;
	vm0 =	vgt.f32 v9, $0.0e+00;
	v13 =	vmul.f32 v17, v16  }
0x4f: {  	v14 =	vadd.f32 v14, v2;
	s16 =	sadd.s32 $0x10, s16;
	v7 =	vadd.f32 v12, v7;
	v2 =	vsel vm0, $0x3F800000, v0  }
0x50: {  	v10 =	vsub.f32 v10, v15;
	s16 =	sand.u32 $0x7F0, s16;
	v12 =	vmul.f32 v2, v13;
	v2 =	vsub.f32 $1.000000000e+00, v2  }
0x51: {  	v4 =	vadd.f32 v11, v4;
	v3 =	vadd.f32 v3, v5;
	v15 =	vmov s15;
	v5 =	vld [tilespmem:s16+$0x3A80]  }
0x52: {  	v11 =	vmul.f32 v12, v10;
	v6 =	vadd.f32 v12, v6;
	v13 =	vmul.f32 v2, v13  }
0x53: {  	s29 =	simm.s32 $0x0;
	vm0 =	vlt.s32 v15, v1;
	v16 =	vmul.f32 v12, v14;
	v17 =	vmul.f32 v12, v9;
	v2 =	vld [tilespmem:$0x6820]  }
0x54: {  	s30 =	sand.u32 $0x7F0, s29;
	v12 =	vadd.f32 v12, v3;
	v1 =	vsub.f32 $1.000000000e+00, v6;
	v6 =	vmul.f32 v13, v9  }
0x55: {  	v15 =	vld [tilespmem:s30+$0x4100];
	v9 =	vsel vm0, $0x3F800000, v0;
	v8 =	vadd.f32 v11, v8;
	v11 =	vadd.f32 v13, v14  }
0x56: {  	vm0 =	vgt.f32 v5, $0.0e+00;
	v13 =	vmov s29;
	v9 =	vmul.f32 v9, v1  }
0x57: {  	v6 =	vsub.f32 v10, v6;
	v10 =	vsel vm0, $0x3F800000, v0;
	v1 =	vimm.f32 $0.0e+00  }
0x58: {  	vm0 =	vlt.s32 v13, v2;
	v9 =	vmul.f32 v10, v9;
	v10 =	vsub.f32 $1.000000000e+00, v1  }
0x59: {  	v7 =	vadd.f32 v16, v7;
	v4 =	vadd.f32 v17, v4;
	v13 =	vsel vm0, $0x3F800000, v0  }
0x5a: {  	vm0 =	vgt.f32 v15, $0.0e+00;
	v10 =	vmul.f32 v13, v10;
	v11 =	vmul.f32 v9, v11  }
0x5b: {  	v6 =	vmul.f32 v9, v6;
	v13 =	vsel vm0, $0x3F800000, v0;
	v5 =	vmul.f32 v9, v5  }
0x5c: {  	s31 =	simm.s32 $0x1;
	s16 =	simm.s32 $0x10;
	v3 =	vmul.f32 v13, v10;
	v7 =	vadd.f32 v11, v7;
	v11 =	vsub.f32 $1.000000000e+00, v13  }
0x5d: {  	s17 =	sand.u32 $0x7F0, s16;
	v4 =	vadd.f32 v5, v4;
	v5 =	vadd.f32 v9, v12;
	v9 =	vmov s31  }
0x5e: {  	v8 =	vadd.f32 v6, v8;
	vm0 =	vlt.s32 v9, v2;
	v9 =	vld [tilespmem:s17+$0x4100]  }
0x5f: {  	v13 =	vmul.f32 v3, v1;
	v6 =	vadd.f32 v3, v1;
	v14 =	vmul.f32 v11, v10  }
0x60: {  	v12 =	vmul.f32 v3, v1;
	v11 =	vmul.f32 v3, v15  }
0x61: {  	s15 =	simm.s32 $0x2;
	s17 =	simm.s32 $0x3;
	v10 =	vimm.f32 $0.0e+00;
	v16 =	vsub.f32 $1.000000000e+00, v6;
	v15 =	vmul.f32 v14, v15  }
.LBB2_6:
0x62: {  	p0 =	sne.s32 s17, $0x67;
	v17 =	vsel vm0, $0x3F800000, v0;
	v8 =	vadd.f32 v13, v8;
	v1 =	vadd.f32 v14, v1  }
0x63: {  	vm0 =	vgt.f32 v9, $0.0e+00;
	v14 =	vmul.f32 v17, v16;
	v10 =	vsub.f32 v10, v15;
	v15 =	vmovc v9  }
0x64: {  	s16 =	sadd.s32 $0x10, s16;
	v7 =	vadd.f32 v12, v7;
	v4 =	vadd.f32 v11, v4;
	v9 =	vsel vm0, $0x3F800000, v0  }
.Ltmp2:
0x65: {  	v5 =	vadd.f32 v3, v5;
	s18 =	sand.u32 $0x7F0, s16;
	v11 =	vsub.f32 $1.000000000e+00, v9;
	v3 =	vmul.f32 v9, v14;
	(pc) =	sbr.rel @p0 .LBB2_6-.Ltmp2, $4  }
0x66: {  	v9 =	vld [tilespmem:s18+$0x4100]  }
0x67: {  	v13 =	vmul.f32 v3, v10;
	v6 =	vadd.f32 v3, v6;
	v14 =	vmul.f32 v11, v14  }
0x68: {  	v16 =	vmov s15;
	s15 =	smov.u32 s17;
	v12 =	vmul.f32 v3, v1;
	v11 =	vmul.f32 v3, v15  }
0x69: {  	s17 =	sadd.s32 $0x1, s17;
	vm0 =	vlt.s32 v16, v2;
	v16 =	vsub.f32 $1.000000000e+00, v6;
	v15 =	vmul.f32 v14, v15  }
0x6a: {  	v17 =	vsel vm0, $0x3F800000, v0  }
0x6b: {  	v8 =	vadd.f32 v13, v8;
	vm0 =	vgt.f32 v9, $0.0e+00;
	v13 =	vmul.f32 v17, v16  }
0x6c: {  	v14 =	vadd.f32 v14, v1;
	s16 =	sadd.s32 $0x10, s16;
	v7 =	vadd.f32 v12, v7;
	v1 =	vsel vm0, $0x3F800000, v0  }
0x6d: {  	v10 =	vsub.f32 v10, v15;
	s16 =	sand.u32 $0x7F0, s16;
	v12 =	vmul.f32 v1, v13;
	v1 =	vsub.f32 $1.000000000e+00, v1  }
0x6e: {  	v4 =	vadd.f32 v11, v4;
	v3 =	vadd.f32 v3, v5;
	v15 =	vmov s15;
	v5 =	vld [tilespmem:s16+$0x4100]  }
0x6f: {  	v11 =	vmul.f32 v12, v10;
	v6 =	vadd.f32 v12, v6;
	v13 =	vmul.f32 v1, v13  }
0x70: {  	s29 =	simm.s32 $0x0;
	vm0 =	vlt.s32 v15, v2;
	v16 =	vmul.f32 v12, v14;
	v17 =	vmul.f32 v12, v9;
	v1 =	vld [tilespmem:$0x6830]  }
0x71: {  	s30 =	sand.u32 $0x7F0, s29;
	v12 =	vadd.f32 v12, v3;
	v2 =	vsub.f32 $1.000000000e+00, v6;
	v6 =	vmul.f32 v13, v9  }
0x72: {  	v15 =	vld [tilespmem:s30+$0x4780];
	v9 =	vsel vm0, $0x3F800000, v0;
	v8 =	vadd.f32 v11, v8;
	v11 =	vadd.f32 v13, v14  }
0x73: {  	vm0 =	vgt.f32 v5, $0.0e+00;
	v13 =	vmov s29;
	v9 =	vmul.f32 v9, v2  }
0x74: {  	v6 =	vsub.f32 v10, v6;
	v10 =	vsel vm0, $0x3F800000, v0;
	v2 =	vimm.f32 $0.0e+00  }
0x75: {  	vm0 =	vlt.s32 v13, v1;
	v9 =	vmul.f32 v10, v9;
	v10 =	vsub.f32 $1.000000000e+00, v2  }
0x76: {  	v7 =	vadd.f32 v16, v7;
	v4 =	vadd.f32 v17, v4;
	v13 =	vsel vm0, $0x3F800000, v0  }
0x77: {  	vm0 =	vgt.f32 v15, $0.0e+00;
	v10 =	vmul.f32 v13, v10;
	v11 =	vmul.f32 v9, v11  }
0x78: {  	v6 =	vmul.f32 v9, v6;
	v13 =	vsel vm0, $0x3F800000, v0;
	v5 =	vmul.f32 v9, v5  }
0x79: {  	s31 =	simm.s32 $0x1;
	s16 =	simm.s32 $0x10;
	v3 =	vmul.f32 v13, v10;
	v7 =	vadd.f32 v11, v7;
	v11 =	vsub.f32 $1.000000000e+00, v13  }
0x7a: {  	s17 =	sand.u32 $0x7F0, s16;
	v4 =	vadd.f32 v5, v4;
	v5 =	vadd.f32 v9, v12;
	v9 =	vmov s31  }
0x7b: {  	v8 =	vadd.f32 v6, v8;
	vm0 =	vlt.s32 v9, v1;
	v9 =	vld [tilespmem:s17+$0x4780]  }
0x7c: {  	v13 =	vmul.f32 v3, v2;
	v6 =	vadd.f32 v3, v2;
	v14 =	vmul.f32 v11, v10  }
0x7d: {  	v12 =	vmul.f32 v3, v2;
	v11 =	vmul.f32 v3, v15  }
0x7e: {  	s15 =	simm.s32 $0x2;
	s17 =	simm.s32 $0x3;
	v10 =	vimm.f32 $0.0e+00;
	v16 =	vsub.f32 $1.000000000e+00, v6;
	v15 =	vmul.f32 v14, v15  }
.LBB2_8:
0x7f: {  	p0 =	sne.s32 s17, $0x67;
	v17 =	vsel vm0, $0x3F800000, v0;
	v8 =	vadd.f32 v13, v8;
	v2 =	vadd.f32 v14, v2  }
0x80: {  	vm0 =	vgt.f32 v9, $0.0e+00;
	v14 =	vmul.f32 v17, v16;
	v10 =	vsub.f32 v10, v15;
	v15 =	vmovc v9  }
0x81: {  	s16 =	sadd.s32 $0x10, s16;
	v7 =	vadd.f32 v12, v7;
	v4 =	vadd.f32 v11, v4;
	v9 =	vsel vm0, $0x3F800000, v0  }
.Ltmp3:
0x82: {  	v5 =	vadd.f32 v3, v5;
	s18 =	sand.u32 $0x7F0, s16;
	v11 =	vsub.f32 $1.000000000e+00, v9;
	v3 =	vmul.f32 v9, v14;
	(pc) =	sbr.rel @p0 .LBB2_8-.Ltmp3, $4  }
0x83: {  	v9 =	vld [tilespmem:s18+$0x4780]  }
0x84: {  	v13 =	vmul.f32 v3, v10;
	v6 =	vadd.f32 v3, v6;
	v14 =	vmul.f32 v11, v14  }
0x85: {  	v16 =	vmov s15;
	s15 =	smov.u32 s17;
	v12 =	vmul.f32 v3, v2;
	v11 =	vmul.f32 v3, v15  }
0x86: {  	s17 =	sadd.s32 $0x1, s17;
	vm0 =	vlt.s32 v16, v1;
	v16 =	vsub.f32 $1.000000000e+00, v6;
	v15 =	vmul.f32 v14, v15  }
0x87: {  	v17 =	vsel vm0, $0x3F800000, v0  }
0x88: {  	v8 =	vadd.f32 v13, v8;
	vm0 =	vgt.f32 v9, $0.0e+00;
	v13 =	vmul.f32 v17, v16  }
0x89: {  	v14 =	vadd.f32 v14, v2;
	s16 =	sadd.s32 $0x10, s16;
	v7 =	vadd.f32 v12, v7;
	v2 =	vsel vm0, $0x3F800000, v0  }
0x8a: {  	v10 =	vsub.f32 v10, v15;
	s16 =	sand.u32 $0x7F0, s16;
	v12 =	vmul.f32 v2, v13;
	v2 =	vsub.f32 $1.000000000e+00, v2  }
0x8b: {  	v4 =	vadd.f32 v11, v4;
	v3 =	vadd.f32 v3, v5;
	v15 =	vmov s15;
	v5 =	vld [tilespmem:s16+$0x4780]  }
0x8c: {  	v11 =	vmul.f32 v12, v10;
	v6 =	vadd.f32 v12, v6;
	v13 =	vmul.f32 v2, v13  }
0x8d: {  	s29 =	simm.s32 $0x0;
	vm0 =	vlt.s32 v15, v1;
	v16 =	vmul.f32 v12, v14;
	v17 =	vmul.f32 v12, v9;
	v2 =	vld [tilespmem:$0x6840]  }
0x8e: {  	s30 =	sand.u32 $0x7F0, s29;
	v12 =	vadd.f32 v12, v3;
	v1 =	vsub.f32 $1.000000000e+00, v6;
	v6 =	vmul.f32 v13, v9  }
0x8f: {  	v15 =	vld [tilespmem:s30+$0x4E00];
	v9 =	vsel vm0, $0x3F800000, v0;
	v8 =	vadd.f32 v11, v8;
	v11 =	vadd.f32 v13, v14  }
0x90: {  	vm0 =	vgt.f32 v5, $0.0e+00;
	v13 =	vmov s29;
	v9 =	vmul.f32 v9, v1  }
0x91: {  	v6 =	vsub.f32 v10, v6;
	v10 =	vsel vm0, $0x3F800000, v0;
	v1 =	vimm.f32 $0.0e+00  }
0x92: {  	vm0 =	vlt.s32 v13, v2;
	v9 =	vmul.f32 v10, v9;
	v10 =	vsub.f32 $1.000000000e+00, v1  }
0x93: {  	v7 =	vadd.f32 v16, v7;
	v4 =	vadd.f32 v17, v4;
	v13 =	vsel vm0, $0x3F800000, v0  }
0x94: {  	vm0 =	vgt.f32 v15, $0.0e+00;
	v10 =	vmul.f32 v13, v10;
	v11 =	vmul.f32 v9, v11  }
0x95: {  	v6 =	vmul.f32 v9, v6;
	v13 =	vsel vm0, $0x3F800000, v0;
	v5 =	vmul.f32 v9, v5  }
0x96: {  	s31 =	simm.s32 $0x1;
	s16 =	simm.s32 $0x10;
	v3 =	vmul.f32 v13, v10;
	v7 =	vadd.f32 v11, v7;
	v11 =	vsub.f32 $1.000000000e+00, v13  }
0x97: {  	s17 =	sand.u32 $0x7F0, s16;
	v4 =	vadd.f32 v5, v4;
	v5 =	vadd.f32 v9, v12;
	v9 =	vmov s31  }
0x98: {  	v8 =	vadd.f32 v6, v8;
	vm0 =	vlt.s32 v9, v2;
	v9 =	vld [tilespmem:s17+$0x4E00]  }
0x99: {  	v13 =	vmul.f32 v3, v1;
	v6 =	vadd.f32 v3, v1;
	v14 =	vmul.f32 v11, v10  }
0x9a: {  	v12 =	vmul.f32 v3, v1;
	v11 =	vmul.f32 v3, v15  }
0x9b: {  	s15 =	simm.s32 $0x2;
	s17 =	simm.s32 $0x3;
	v10 =	vimm.f32 $0.0e+00;
	v16 =	vsub.f32 $1.000000000e+00, v6;
	v15 =	vmul.f32 v14, v15  }
.LBB2_10:
0x9c: {  	p0 =	sne.s32 s17, $0x67;
	v17 =	vsel vm0, $0x3F800000, v0;
	v8 =	vadd.f32 v13, v8;
	v1 =	vadd.f32 v14, v1  }
0x9d: {  	vm0 =	vgt.f32 v9, $0.0e+00;
	v14 =	vmul.f32 v17, v16;
	v10 =	vsub.f32 v10, v15;
	v15 =	vmovc v9  }
0x9e: {  	s16 =	sadd.s32 $0x10, s16;
	v7 =	vadd.f32 v12, v7;
	v4 =	vadd.f32 v11, v4;
	v9 =	vsel vm0, $0x3F800000, v0  }
.Ltmp4:
0x9f: {  	v5 =	vadd.f32 v3, v5;
	s18 =	sand.u32 $0x7F0, s16;
	v11 =	vsub.f32 $1.000000000e+00, v9;
	v3 =	vmul.f32 v9, v14;
	(pc) =	sbr.rel @p0 .LBB2_10-.Ltmp4, $4  }
0xa0: {  	v9 =	vld [tilespmem:s18+$0x4E00]  }
0xa1: {  	v13 =	vmul.f32 v3, v10;
	v6 =	vadd.f32 v3, v6;
	v14 =	vmul.f32 v11, v14  }
0xa2: {  	v16 =	vmov s15;
	s15 =	smov.u32 s17;
	v12 =	vmul.f32 v3, v1;
	v11 =	vmul.f32 v3, v15  }
0xa3: {  	s17 =	sadd.s32 $0x1, s17;
	vm0 =	vlt.s32 v16, v2;
	v16 =	vsub.f32 $1.000000000e+00, v6;
	v15 =	vmul.f32 v14, v15  }
0xa4: {  	v17 =	vsel vm0, $0x3F800000, v0  }
0xa5: {  	v8 =	vadd.f32 v13, v8;
	vm0 =	vgt.f32 v9, $0.0e+00;
	v13 =	vmul.f32 v17, v16  }
0xa6: {  	v14 =	vadd.f32 v14, v1;
	s16 =	sadd.s32 $0x10, s16;
	v7 =	vadd.f32 v12, v7;
	v1 =	vsel vm0, $0x3F800000, v0  }
0xa7: {  	v10 =	vsub.f32 v10, v15;
	s16 =	sand.u32 $0x7F0, s16;
	v12 =	vmul.f32 v1, v13;
	v1 =	vsub.f32 $1.000000000e+00, v1  }
0xa8: {  	v4 =	vadd.f32 v11, v4;
	v3 =	vadd.f32 v3, v5;
	v15 =	vmov s15;
	v5 =	vld [tilespmem:s16+$0x4E00]  }
0xa9: {  	v11 =	vmul.f32 v12, v10;
	v6 =	vadd.f32 v12, v6;
	v13 =	vmul.f32 v1, v13  }
0xaa: {  	s29 =	simm.s32 $0x0;
	vm0 =	vlt.s32 v15, v2;
	v16 =	vmul.f32 v12, v14;
	v17 =	vmul.f32 v12, v9;
	v1 =	vld [tilespmem:$0x6850]  }
0xab: {  	s30 =	sand.u32 $0x7F0, s29;
	v12 =	vadd.f32 v12, v3;
	v2 =	vsub.f32 $1.000000000e+00, v6;
	v6 =	vmul.f32 v13, v9  }
0xac: {  	v15 =	vld [tilespmem:s30+$0x5480];
	v9 =	vsel vm0, $0x3F800000, v0;
	v8 =	vadd.f32 v11, v8;
	v11 =	vadd.f32 v13, v14  }
0xad: {  	vm0 =	vgt.f32 v5, $0.0e+00;
	v13 =	vmov s29;
	v9 =	vmul.f32 v9, v2  }
0xae: {  	v6 =	vsub.f32 v10, v6;
	v10 =	vsel vm0, $0x3F800000, v0;
	v2 =	vimm.f32 $0.0e+00  }
0xaf: {  	vm0 =	vlt.s32 v13, v1;
	v9 =	vmul.f32 v10, v9;
	v10 =	vsub.f32 $1.000000000e+00, v2  }
0xb0: {  	v7 =	vadd.f32 v16, v7;
	v4 =	vadd.f32 v17, v4;
	v13 =	vsel vm0, $0x3F800000, v0  }
0xb1: {  	vm0 =	vgt.f32 v15, $0.0e+00;
	v10 =	vmul.f32 v13, v10;
	v11 =	vmul.f32 v9, v11  }
0xb2: {  	v6 =	vmul.f32 v9, v6;
	v13 =	vsel vm0, $0x3F800000, v0;
	v5 =	vmul.f32 v9, v5  }
0xb3: {  	s31 =	simm.s32 $0x1;
	s16 =	simm.s32 $0x10;
	v3 =	vmul.f32 v13, v10;
	v7 =	vadd.f32 v11, v7;
	v11 =	vsub.f32 $1.000000000e+00, v13  }
0xb4: {  	s17 =	sand.u32 $0x7F0, s16;
	v4 =	vadd.f32 v5, v4;
	v5 =	vadd.f32 v9, v12;
	v9 =	vmov s31  }
0xb5: {  	v8 =	vadd.f32 v6, v8;
	vm0 =	vlt.s32 v9, v1;
	v9 =	vld [tilespmem:s17+$0x5480]  }
0xb6: {  	v13 =	vmul.f32 v3, v2;
	v6 =	vadd.f32 v3, v2;
	v14 =	vmul.f32 v11, v10  }
0xb7: {  	v12 =	vmul.f32 v3, v2;
	v11 =	vmul.f32 v3, v15  }
0xb8: {  	s15 =	simm.s32 $0x2;
	s17 =	simm.s32 $0x3;
	v10 =	vimm.f32 $0.0e+00;
	v16 =	vsub.f32 $1.000000000e+00, v6;
	v15 =	vmul.f32 v14, v15  }
.LBB2_12:
0xb9: {  	p0 =	sne.s32 s17, $0x67;
	v17 =	vsel vm0, $0x3F800000, v0;
	v8 =	vadd.f32 v13, v8;
	v2 =	vadd.f32 v14, v2  }
0xba: {  	vm0 =	vgt.f32 v9, $0.0e+00;
	v14 =	vmul.f32 v17, v16;
	v10 =	vsub.f32 v10, v15;
	v15 =	vmovc v9  }
0xbb: {  	s16 =	sadd.s32 $0x10, s16;
	v7 =	vadd.f32 v12, v7;
	v4 =	vadd.f32 v11, v4;
	v9 =	vsel vm0, $0x3F800000, v0  }
.Ltmp5:
0xbc: {  	v5 =	vadd.f32 v3, v5;
	s18 =	sand.u32 $0x7F0, s16;
	v11 =	vsub.f32 $1.000000000e+00, v9;
	v3 =	vmul.f32 v9, v14;
	(pc) =	sbr.rel @p0 .LBB2_12-.Ltmp5, $4  }
0xbd: {  	v9 =	vld [tilespmem:s18+$0x5480]  }
0xbe: {  	v13 =	vmul.f32 v3, v10;
	v6 =	vadd.f32 v3, v6;
	v14 =	vmul.f32 v11, v14  }
0xbf: {  	v16 =	vmov s15;
	s15 =	smov.u32 s17;
	v12 =	vmul.f32 v3, v2;
	v11 =	vmul.f32 v3, v15  }
0xc0: {  	s17 =	sadd.s32 $0x1, s17;
	vm0 =	vlt.s32 v16, v1;
	v16 =	vsub.f32 $1.000000000e+00, v6;
	v15 =	vmul.f32 v14, v15  }
0xc1: {  	v17 =	vsel vm0, $0x3F800000, v0  }
0xc2: {  	v8 =	vadd.f32 v13, v8;
	vm0 =	vgt.f32 v9, $0.0e+00;
	v13 =	vmul.f32 v17, v16  }
0xc3: {  	v14 =	vadd.f32 v14, v2;
	s16 =	sadd.s32 $0x10, s16;
	v7 =	vadd.f32 v12, v7;
	v2 =	vsel vm0, $0x3F800000, v0  }
0xc4: {  	v10 =	vsub.f32 v10, v15;
	s16 =	sand.u32 $0x7F0, s16;
	v12 =	vmul.f32 v2, v13;
	v2 =	vsub.f32 $1.000000000e+00, v2  }
0xc5: {  	v4 =	vadd.f32 v11, v4;
	v3 =	vadd.f32 v3, v5;
	v15 =	vmov s15;
	v5 =	vld [tilespmem:s16+$0x5480]  }
0xc6: {  	v11 =	vmul.f32 v12, v10;
	v6 =	vadd.f32 v12, v6;
	v13 =	vmul.f32 v2, v13  }
0xc7: {  	s29 =	simm.s32 $0x0;
	vm0 =	vlt.s32 v15, v1;
	v16 =	vmul.f32 v12, v14;
	v17 =	vmul.f32 v12, v9;
	v2 =	vld [tilespmem:$0x6860]  }
0xc8: {  	s30 =	sand.u32 $0x7F0, s29;
	v12 =	vadd.f32 v12, v3;
	v1 =	vsub.f32 $1.000000000e+00, v6;
	v6 =	vmul.f32 v13, v9  }
0xc9: {  	v15 =	vld [tilespmem:s30+$0x5B00];
	v9 =	vsel vm0, $0x3F800000, v0;
	v8 =	vadd.f32 v11, v8;
	v11 =	vadd.f32 v13, v14  }
0xca: {  	vm0 =	vgt.f32 v5, $0.0e+00;
	v13 =	vmov s29;
	v9 =	vmul.f32 v9, v1  }
0xcb: {  	v6 =	vsub.f32 v10, v6;
	v10 =	vsel vm0, $0x3F800000, v0;
	v1 =	vimm.f32 $0.0e+00  }
0xcc: {  	vm0 =	vlt.s32 v13, v2;
	v9 =	vmul.f32 v10, v9;
	v10 =	vsub.f32 $1.000000000e+00, v1  }
0xcd: {  	v7 =	vadd.f32 v16, v7;
	v4 =	vadd.f32 v17, v4;
	v13 =	vsel vm0, $0x3F800000, v0  }
0xce: {  	vm0 =	vgt.f32 v15, $0.0e+00;
	v10 =	vmul.f32 v13, v10;
	v11 =	vmul.f32 v9, v11  }
0xcf: {  	v6 =	vmul.f32 v9, v6;
	v13 =	vsel vm0, $0x3F800000, v0;
	v5 =	vmul.f32 v9, v5  }
0xd0: {  	s31 =	simm.s32 $0x1;
	s16 =	simm.s32 $0x10;
	v3 =	vmul.f32 v13, v10;
	v7 =	vadd.f32 v11, v7;
	v11 =	vsub.f32 $1.000000000e+00, v13  }
0xd1: {  	s17 =	sand.u32 $0x7F0, s16;
	v4 =	vadd.f32 v5, v4;
	v5 =	vadd.f32 v9, v12;
	v9 =	vmov s31  }
0xd2: {  	v8 =	vadd.f32 v6, v8;
	vm0 =	vlt.s32 v9, v2;
	v9 =	vld [tilespmem:s17+$0x5B00]  }
0xd3: {  	v13 =	vmul.f32 v3, v1;
	v6 =	vadd.f32 v3, v1;
	v14 =	vmul.f32 v11, v10  }
0xd4: {  	v12 =	vmul.f32 v3, v1;
	v11 =	vmul.f32 v3, v15  }
0xd5: {  	s15 =	simm.s32 $0x2;
	s17 =	simm.s32 $0x3;
	v10 =	vimm.f32 $0.0e+00;
	v16 =	vsub.f32 $1.000000000e+00, v6;
	v15 =	vmul.f32 v14, v15  }
.LBB2_14:
0xd6: {  	p0 =	sne.s32 s17, $0x67;
	v17 =	vsel vm0, $0x3F800000, v0;
	v8 =	vadd.f32 v13, v8;
	v1 =	vadd.f32 v14, v1  }
0xd7: {  	vm0 =	vgt.f32 v9, $0.0e+00;
	v14 =	vmul.f32 v17, v16;
	v10 =	vsub.f32 v10, v15;
	v15 =	vmovc v9  }
0xd8: {  	s16 =	sadd.s32 $0x10, s16;
	v7 =	vadd.f32 v12, v7;
	v4 =	vadd.f32 v11, v4;
	v9 =	vsel vm0, $0x3F800000, v0  }
.Ltmp6:
0xd9: {  	v5 =	vadd.f32 v3, v5;
	s18 =	sand.u32 $0x7F0, s16;
	v11 =	vsub.f32 $1.000000000e+00, v9;
	v3 =	vmul.f32 v9, v14;
	(pc) =	sbr.rel @p0 .LBB2_14-.Ltmp6, $4  }
0xda: {  	v9 =	vld [tilespmem:s18+$0x5B00]  }
0xdb: {  	v13 =	vmul.f32 v3, v10;
	v6 =	vadd.f32 v3, v6;
	v14 =	vmul.f32 v11, v14  }
0xdc: {  	v16 =	vmov s15;
	s15 =	smov.u32 s17;
	v12 =	vmul.f32 v3, v1;
	v11 =	vmul.f32 v3, v15  }
0xdd: {  	s17 =	sadd.s32 $0x1, s17;
	vm0 =	vlt.s32 v16, v2;
	v16 =	vsub.f32 $1.000000000e+00, v6;
	v15 =	vmul.f32 v14, v15  }
0xde: {  	v17 =	vsel vm0, $0x3F800000, v0  }
0xdf: {  	v8 =	vadd.f32 v13, v8;
	vm0 =	vgt.f32 v9, $0.0e+00;
	v13 =	vmul.f32 v17, v16  }
0xe0: {  	v14 =	vadd.f32 v14, v1;
	s16 =	sadd.s32 $0x10, s16;
	v1 =	vsel vm0, $0x3F800000, v0  }
0xe1: {  	v7 =	vadd.f32 v12, v7;
	s16 =	sand.u32 $0x7F0, s16;
	v12 =	vmul.f32 v1, v13  }
0xe2: {  	v3 =	vadd.f32 v3, v5;
	v5 =	vld [tilespmem:s16+$0x5B00];
	v1 =	vsub.f32 $1.000000000e+00, v1  }
0xe3: {  	v10 =	vsub.f32 v10, v15;
	v15 =	vmov s15;
	v6 =	vadd.f32 v12, v6  }
0xe4: {  	v4 =	vadd.f32 v11, v4;
	s29 =	simm.s32 $0x0;
	vm0 =	vlt.s32 v15, v2;
	v13 =	vmul.f32 v1, v13  }
0xe5: {  	s30 =	sand.u32 $0x7F0, s29;
	v11 =	vmul.f32 v12, v10;
	v16 =	vmul.f32 v12, v14;
	v1 =	vld [tilespmem:$0x6870];
	v2 =	vsub.f32 $1.000000000e+00, v6  }
0xe6: {  	v15 =	vld [tilespmem:s30+$0x6180];
	v17 =	vmul.f32 v12, v9;
	v6 =	vmul.f32 v13, v9;
	v9 =	vsel vm0, $0x3F800000, v0  }
0xe7: {  	v8 =	vadd.f32 v11, v8;
	vm0 =	vgt.f32 v5, $0.0e+00;
	v9 =	vmul.f32 v9, v2  }
0xe8: {  	v11 =	vadd.f32 v13, v14;
	v6 =	vsub.f32 v10, v6;
	v10 =	vsel vm0, $0x3F800000, v0  }
0xe9: {  	v13 =	vmov s29;
	v2 =	vimm.f32 $0.0e+00;
	v9 =	vmul.f32 v10, v9  }
0xea: {  	vm0 =	vlt.s32 v13, v1;
	v13 =	vadd.f32 v16, v7;
	v10 =	vsub.f32 $1.000000000e+00, v2  }
0xeb: {  	v7 =	vsel vm0, $0x3F800000, v0;
	vm0 =	vgt.f32 v15, $0.0e+00;
	v6 =	vmul.f32 v9, v6  }
0xec: {  	v12 =	vadd.f32 v12, v3;
	v14 =	vsel vm0, $0x3F800000, v0;
	v10 =	vmul.f32 v7, v10  }
0xed: {  	v11 =	vmul.f32 v9, v11;
	v7 =	vadd.f32 v6, v8;
	v8 =	vsub.f32 $1.000000000e+00, v14  }
0xee: {  	s31 =	simm.s32 $0x1;
	s15 =	simm.s32 $0x10;
	v4 =	vadd.f32 v17, v4;
	v5 =	vmul.f32 v9, v5;
	v3 =	vmul.f32 v14, v10  }
0xef: {  	s17 =	sand.u32 $0x7F0, s15;
	v6 =	vadd.f32 v11, v13;
	v13 =	vmul.f32 v8, v10;
	v8 =	vmov s31  }
0xf0: {  	v5 =	vadd.f32 v5, v4;
	vm0 =	vlt.s32 v8, v1;
	v8 =	vld [tilespmem:s17+$0x6180]  }
0xf1: {  	v4 =	vadd.f32 v9, v12;
	v9 =	vadd.f32 v3, v2  }
0xf2: {  	v11 =	vimm.f32 $0.0e+00;
	v14 =	vmul.f32 v3, v2;
	v12 =	vmul.f32 v3, v2  }
0xf3: {  	s16 =	simm.s32 $0x2;
	v10 =	vmul.f32 v3, v15;
	s17 =	simm.s32 $0x3;
	v16 =	vsub.f32 $1.000000000e+00, v9;
	v15 =	vmul.f32 v13, v15  }
.LBB2_16:
0xf4: {  	p0 =	sne.s32 s17, $0x67;
	v17 =	vsel vm0, $0x3F800000, v0;
	v7 =	vadd.f32 v14, v7;
	v2 =	vadd.f32 v13, v2  }
0xf5: {  	vm0 =	vgt.f32 v8, $0.0e+00;
	v13 =	vmul.f32 v17, v16;
	v11 =	vsub.f32 v11, v15;
	v15 =	vmovc v8  }
0xf6: {  	s15 =	sadd.s32 $0x10, s15;
	v6 =	vadd.f32 v12, v6;
	v5 =	vadd.f32 v10, v5;
	v8 =	vsel vm0, $0x3F800000, v0  }
.Ltmp7:
0xf7: {  	v4 =	vadd.f32 v3, v4;
	s18 =	sand.u32 $0x7F0, s15;
	v10 =	vsub.f32 $1.000000000e+00, v8;
	v3 =	vmul.f32 v8, v13;
	(pc) =	sbr.rel @p0 .LBB2_16-.Ltmp7, $4  }
0xf8: {  	v8 =	vld [tilespmem:s18+$0x6180]  }
0xf9: {  	v14 =	vmul.f32 v3, v11;
	v9 =	vadd.f32 v3, v9;
	v13 =	vmul.f32 v10, v13  }
0xfa: {  	v16 =	vmov s16;
	s16 =	smov.u32 s17;
	v12 =	vmul.f32 v3, v2;
	v10 =	vmul.f32 v3, v15  }
0xfb: {  	s17 =	sadd.s32 $0x1, s17;
	vm0 =	vlt.s32 v16, v1;
	v16 =	vsub.f32 $1.000000000e+00, v9;
	v15 =	vmul.f32 v13, v15  }
0xfc: {  	v17 =	vsel vm0, $0x3F800000, v0  }
0xfd: {  	vm13 =	vgt.f32 v8, $0.0e+00;
	v16 =	vmul.f32 v17, v16  }
0xfe: {  	s15 =	sadd.s32 $0x10, s15;
	v54 =	vsel vm13, $0x3F800000, v0  }
0xff: {  	s15 =	sand.u32 $0x7F0, s15;
	v18 =	vmul.f32 v54, v16  }
0x100: {  	v19 =	vld [tilespmem:s15+$0x6180]  }
0x101: {  	v17 =	vsub.f32 $1.000000000e+00, v54;
	v9 =	vadd.f32 v18, v9  }
0x102: {  	v20 =	vmov s16;
	v7 =	vadd.f32 v14, v7;
	v2 =	vadd.f32 v13, v2  }
0x103: {  	vm14 =	vlt.s32 v20, v1;
	v1 =	vmul.f32 v17, v16;
	v9 =	vsub.f32 $1.000000000e+00, v9  }
0x104: {  	v6 =	vadd.f32 v12, v6;
	v11 =	vsub.f32 v11, v15;
	v55 =	vsel vm14, $0x3F800000, v0  }
0x105: {  	v56 =	vmul.f32 v1, v8;
	vm15 =	vgt.f32 v19, $0.0e+00;
	v9 =	vmul.f32 v55, v9  }
0x106: {  	v5 =	vadd.f32 v10, v5;
	v3 =	vadd.f32 v3, v4;
	v57 =	vsel vm15, $0x3F800000, v0  }
0x107: {  	v58 =	vmul.f32 v18, v11;
	v11 =	vsub.f32 v11, v56;
	v9 =	vmul.f32 v57, v9  }
0x108: {  	v59 =	vmul.f32 v18, v2;
	v3 =	vadd.f32 v18, v3;
	v1 =	vadd.f32 v1, v2  }
0x109: {  	v2 =	vmul.f32 v18, v8;
	v7 =	vadd.f32 v58, v7;
	v60 =	vmul.f32 v9, v11  }
0x10a: {  	v61 =	vadd.f32 v59, v6;
	v1 =	vmul.f32 v9, v1;
	v3 =	vadd.f32 v9, v3  }
0x10b: {  	v2 =	vadd.f32 v2, v5;
	v62 =	vmul.f32 v9, v19;
	v63 =	vadd.f32 v60, v7  }
0x10c: {  	v1 =	vadd.f32 v1, v61;
	[tilespmem:$0x6A00] =	vst v3  }
0x10d: {  	s14 =	sadd.s32 $0x1, s14;
	v2 =	vadd.f32 v62, v2;
	[tilespmem:$0x6880] =	vst v63  }
0x10e: {  	p0 =	sne.s32 s14, s7;
	[tilespmem:$0x6900] =	vst v1  }
.Ltmp8:
0x10f: {  	[tilespmem:$0x6980] =	vst v2;
	(pc) =	sbr.rel @p0 .LBB2_1-.Ltmp8, $4  }
0x110: {  	[hbm4b:s6+s2] =	stream.linear.scatter [tilespmem:s13], [sflag:$0x2], $0x200, $0x38;
	[tilespmem:$0x6A80] =	vst v63  }
0x111: {  	_ =	swait.ge [sflag:s10], $0x200  }
0x112: {  	[sflag:s10] =	ssyncset.done $0x0  }
0x113: {  	[sflag:s10] =	ssyncadd.s32 $0xFFFFFE00  }
0x114: {  	_ =	sfence.sel $0x180000  }
0x115: {  	[bflag:$0x0] =	sbarrier.arrive $0xFFFF  }
0x116: {  	p0 =	sne.s32 s0, $0x0;
	_ =	strace $0x90000047  }
0x117: {  	s0 =	sadd.s32 @!p0 $0x100000, s1;
	[bflag:$0x2] =	sbarrier.arrive $0xFFFF  }
0x118: {  	[sflag:s0] =	ssyncadd.tile.s32 @!p0 $0x1;
	_ =	shalt  }
.Lfunc_end2:
_tile_overlayer_lowered:
.L_overlay_start_2:
0x119: {  	(tag) =	ssettag $0x2  }
0x11a: {  	s0 =	rddreg [dreg:$0x0];
	s2 =	stileid.u32  }
0x11b: {  	s1 =	rddreg [dreg:$0x1];
	p0 =	sne.s32 s2, $0x0  }
0x11c: {  	s3 =	rddreg [dreg:$0x2];
	[bflag:$0x3] =	sbarrier.arrive $0xFFFF;
	s2 =	simm.s32 @!p0 $0x1C02  }
0x11d: {  	[timem:s3], [sflag:s2] =	dma.local @!p0 [hbm:s0], s1  }
0x11e: {  	s0 =	simm.s32 @!p0 $0x2  }
0x11f: {  	_ =	swait.ge @!p0 [sflag:s0], s1  }
0x120: {  	s1 =	ssub.s32 @!p0 $0x0, s1;
	[sflag:s0] =	ssyncset.done @!p0 $0x0  }
0x121: {  	[sflag:s0] =	ssyncadd.s32 @!p0 s1  }
0x122: {  	[bflag:$0x3] =	sbarrier.arrive $0xFFFF  }
0x123: {  	_ =	shalt  }

</sc_bundles>
